<compile_context>
chip_gen: v7x
topology: tpu7x:2x2x1
jax: 0.10.2.dev20260603
libtpu: 0.0.44.dev20260713+nightly
codegen_flags: <defaults>
</compile_context>

<pallas_src>
import functools

import jax
import jax.numpy as jnp
from jax import lax
from jax.experimental import pallas as pl
from jax.experimental.pallas import tpu as pltpu
from jax.experimental.pallas import tpu_sc as plsc

BATCH = 4096
SEQ = 200
D_MODEL = 64
VOCAB = 1000000
NUM_CORES = 2
NUM_SUBCORES = 16
N_TECS = NUM_CORES * NUM_SUBCORES
N_XTILES = (SEQ // 8) * (BATCH // 128)
UNITS_PER_TEC = N_XTILES // N_TECS
QJ = 128
N_Q = 1024 // QJ
N_ROWBUF = 4
OUT_STRIDE = 1032


def _sc_embed_permute(xq, tq):
    mesh = plsc.VectorSubcoreMesh(core_axis_name="c", subcore_axis_name="s")

    @functools.partial(
        pl.kernel,
        mesh=mesh,
        compiler_params=pltpu.CompilerParams(
            needs_layout_passes=False, use_tc_tiling_on_sc=False
        ),
        out_type=jax.ShapeDtypeStruct((D_MODEL, N_XTILES, 1024), jnp.float32),
        scratch_types=[
            pltpu.VMEM((UNITS_PER_TEC, 1024), jnp.int32),
            pltpu.VMEM((QJ, D_MODEL), jnp.float32),
            pltpu.VMEM((QJ, D_MODEL), jnp.float32),
            pltpu.VMEM((QJ, D_MODEL), jnp.float32),
            pltpu.VMEM((QJ, D_MODEL), jnp.float32),
            pltpu.VMEM((D_MODEL * OUT_STRIDE,), jnp.float32),
            pltpu.SemaphoreType.DMA,
            pltpu.SemaphoreType.DMA,
        ],
    )
    def k(xq_hbm, tq_hbm, o_hbm, idx_cache, r0, r1, r2, r3, outs, sg, sw):
        cid = lax.axis_index("c")
        tid = lax.axis_index("s")
        w = cid * NUM_SUBCORES + tid
        t_base = w * UNITS_PER_TEC

        rows = (r0, r1, r2, r3)
        iota = lax.iota(jnp.int32, 16)
        dvecs = [(iota + dc * 16) * OUT_STRIDE for dc in range(D_MODEL // 16)]

        def start_gather(u, q, buf):
            pltpu.async_copy(
                tq_hbm.at[idx_cache.at[u, pl.ds(q * QJ, QJ)]], buf, sg
            )

        def wait_gather():
            pltpu.make_async_copy(tq_hbm.at[pl.ds(0, QJ)], r0, sg).wait()

        def wait_write():
            pltpu.make_async_copy(
                outs.at[pl.ds(0, 1024)], o_hbm.at[0, 0], sw
            ).wait()

        def transpose(buf, q):
            base = q * QJ

            @plsc.parallel_loop(0, QJ, unroll=8)
            def _(j):
                for dc in range(D_MODEL // 16):
                    vals = buf[j, pl.ds(dc * 16, 16)]
                    plsc.store_scatter(outs, [dvecs[dc] + (base + j)], vals)

        pltpu.sync_copy(xq_hbm.at[pl.ds(t_base, UNITS_PER_TEC)], idx_cache)
        for h in range(N_ROWBUF - 1):
            start_gather(0, h, rows[h])

        def drain_writes():
            def dwbody(d_, carry):
                wait_write()
                return carry

            lax.fori_loop(0, D_MODEL, dwbody, 0)

        def body(u, carry):
            @pl.when(u > 0)
            def _():
                drain_writes()

            for q in range(N_Q):
                wait_gather()
                qn = q + N_ROWBUF - 1
                if qn < N_Q:
                    start_gather(u, qn, rows[qn % N_ROWBUF])
                else:
                    un = jnp.minimum(u + 1, UNITS_PER_TEC - 1)
                    start_gather(un, qn - N_Q, rows[qn % N_ROWBUF])
                transpose(rows[q % N_ROWBUF], q)

            def wbody(d_, carry2):
                pltpu.async_copy(
                    outs.at[pl.ds(d_ * OUT_STRIDE, 1024)],
                    o_hbm.at[d_, t_base + u],
                    sw,
                )
                return carry2

            lax.fori_loop(0, D_MODEL, wbody, 0)
            return carry

        lax.fori_loop(0, UNITS_PER_TEC, body, 0)
        for _ in range(N_ROWBUF - 1):
            wait_gather()
        drain_writes()

    return k(xq, tq)


def kernel(x, table):
    xq = (
        x.astype(jnp.int32)
        .T.reshape(25, 8, 32, 128)
        .transpose(0, 2, 1, 3)
        .reshape(N_XTILES, 1024)
    )
    o5 = _sc_embed_permute(xq, table)
    return (
        o5.reshape(64, 25, 32, 8, 128)
        .transpose(2, 4, 0, 1, 3)
        .reshape(BATCH, D_MODEL, SEQ)
    )

# --- scband reference (transcript-rebuilt; emitter-appended) ---
"""Pipeline reference for scband-embedding-model-54838142435679 (READ-ONLY COPY).

The authoritative reference and input builder live on the scoring server;
editing this copy changes nothing except your own understanding.
"""

import jax, jax.numpy as jnp
import numpy as np

VOCAB = 1000000
D_MODEL = 64
BATCH = 4096
SEQ = 200


def setup_inputs(seed: int = 0) -> dict:
    key = jax.random.key(seed)
    k1, k2 = jax.random.split(key)
    x = jax.random.randint(k1, (BATCH, SEQ), 0, VOCAB, dtype=jnp.int64 if jax.config.jax_enable_x64 else jnp.int32)
    table = jax.random.normal(k2, (VOCAB, D_MODEL), dtype=jnp.float32)
    return {"x": x, "table": table}


def reference(x, table):
    # nn.Embedding lookup: gather rows of table by indices
    emb = jnp.take(table, x, axis=0)  # [B, L, d_model]
    # x.permute(0, 2, 1)
    out = jnp.transpose(emb, (0, 2, 1))  # [B, d_model, L]
    return out

if __name__ == "__main__":
    import jax
    _d = setup_inputs()
    print(jax.jit(kernel)(*tuple(_d.values())))

</pallas_src>

<mosaic_0001>
#map = affine_map<(d0, d1) -> (0, 0)>
#map1 = affine_map<(d0, d1) -> (0, 0, 0)>
module attributes {stable_mosaic.version = 14 : i64} {
  func.func @k(%arg0: i32, %arg1: i32, %arg2: memref<800x1024xi32, #tpu.memory_space<hbm>>, %arg3: memref<1000000x64xf32, #tpu.memory_space<hbm>>, %arg4: memref<64x800x1024xf32, #tpu.memory_space<hbm>>, %arg5: memref<25x1024xi32, #tpu.memory_space<vmem>>, %arg6: memref<128x64xf32, #tpu.memory_space<vmem>>, %arg7: memref<128x64xf32, #tpu.memory_space<vmem>>, %arg8: memref<128x64xf32, #tpu.memory_space<vmem>>, %arg9: memref<128x64xf32, #tpu.memory_space<vmem>>, %arg10: memref<66048xf32, #tpu.memory_space<vmem>>, %arg11: memref<!tpu.dma_semaphore, #tpu.memory_space<semaphore_mem>>, %arg12: memref<!tpu.dma_semaphore, #tpu.memory_space<semaphore_mem>>) attributes {dimension_semantics = [#tpu.dimension_semantics<core_parallel>, #tpu.dimension_semantics<subcore_parallel>], iteration_bounds = array<i64: 2, 16>, scalar_prefetch = 0 : i64, scratch_operands = 8 : i64, tpu.core_type = #tpu.core_type<sc_vector_subcore>, window_params = [{transform_indices = #map}, {transform_indices = #map}, {transform_indices = #map1}]} {
    %mul3A = arith.constant 16 : i32
    %mul3A_0 = arith.muli %arg0, %mul3A : i32
    %add3A = arith.addi %mul3A_0, %arg1 : i32
    %mul3A_1 = arith.constant 25 : i32
    %mul3A_2 = arith.muli %add3A, %mul3A_1 : i32
    %iota3A = tpu.iota {dimensions = array<i32: 0>} : vector<16xi32>
    %add3A_3 = arith.constant 0 : i32
    %add3A_4 = vector.broadcast %add3A_3 : i32 to vector<16xi32>
    %add3A_5 = arith.addi %iota3A, %add3A_4 : vector<16xi32>
    %mul3A_6 = arith.constant 1032 : i32
    %mul3A_7 = vector.broadcast %mul3A_6 : i32 to vector<16xi32>
    %mul3A_8 = arith.muli %add3A_5, %mul3A_7 : vector<16xi32>
    %add3A_9 = arith.constant 16 : i32
    %add3A_10 = vector.broadcast %add3A_9 : i32 to vector<16xi32>
    %add3A_11 = arith.addi %iota3A, %add3A_10 : vector<16xi32>
    %mul3A_12 = arith.constant 1032 : i32
    %mul3A_13 = vector.broadcast %mul3A_12 : i32 to vector<16xi32>
    %mul3A_14 = arith.muli %add3A_11, %mul3A_13 : vector<16xi32>
    %add3A_15 = arith.constant 32 : i32
    %add3A_16 = vector.broadcast %add3A_15 : i32 to vector<16xi32>
    %add3A_17 = arith.addi %iota3A, %add3A_16 : vector<16xi32>
    %mul3A_18 = arith.constant 1032 : i32
    %mul3A_19 = vector.broadcast %mul3A_18 : i32 to vector<16xi32>
    %mul3A_20 = arith.muli %add3A_17, %mul3A_19 : vector<16xi32>
    %add3A_21 = arith.constant 48 : i32
    %add3A_22 = vector.broadcast %add3A_21 : i32 to vector<16xi32>
    %add3A_23 = arith.addi %iota3A, %add3A_22 : vector<16xi32>
    %mul3A_24 = arith.constant 1032 : i32
    %mul3A_25 = vector.broadcast %mul3A_24 : i32 to vector<16xi32>
    %mul3A_26 = arith.muli %add3A_23, %mul3A_25 : vector<16xi32>
    "tpu.region"() ({
      %run_scoped3A = tpu.sem_alloc : memref<!tpu.dma_semaphore, #tpu.memory_space<semaphore_mem>>
      %dma_start3A_75 = arith.constant 0 : i32
      %dma_start3A_76 = tpu.memref_slice %arg2[%mul3A_2, %dma_start3A_75] : memref<800x1024xi32, #tpu.memory_space<hbm>> -> memref<25x1024xi32, #tpu.memory_space<hbm>>
      %dma_start3A_77 = arith.constant 0 : i32
      %dma_start3A_78 = tpu.memref_slice %arg2[%mul3A_2, %dma_start3A_77] : memref<800x1024xi32, #tpu.memory_space<hbm>> -> memref<25x1024xi32, #tpu.memory_space<hbm>>
      tpu.enqueue_dma source(%dma_start3A_78 : memref<25x1024xi32, #tpu.memory_space<hbm>>) target(%arg5 : memref<25x1024xi32, #tpu.memory_space<vmem>>) target_semaphore(%run_scoped3A : memref<!tpu.dma_semaphore, #tpu.memory_space<semaphore_mem>>)
      %dma_wait3A_79 = arith.constant 0 : i32
      %dma_wait3A_80 = tpu.memref_slice %arg2[%mul3A_2, %dma_wait3A_79] : memref<800x1024xi32, #tpu.memory_space<hbm>> -> memref<25x1024xi32, #tpu.memory_space<hbm>>
      %dma_wait3A_81 = arith.constant 0 : i32
      %dma_wait3A_82 = tpu.memref_slice %arg2[%mul3A_2, %dma_wait3A_81] : memref<800x1024xi32, #tpu.memory_space<hbm>> -> memref<25x1024xi32, #tpu.memory_space<hbm>>
      tpu.wait_dma2 semaphore(%run_scoped3A : memref<!tpu.dma_semaphore, #tpu.memory_space<semaphore_mem>>) src(%dma_wait3A_82 : memref<25x1024xi32, #tpu.memory_space<hbm>>) dst(%arg5 : memref<25x1024xi32, #tpu.memory_space<vmem>>)
      tpu.yield
    }) : () -> ()
    %dma_start3A = arith.constant 0 : i32
    %dma_start3A_27 = arith.constant 0 : i32
    %dma_start3A_28 = tpu.memref_slice %arg5[%dma_start3A, %dma_start3A_27] : memref<25x1024xi32, #tpu.memory_space<vmem>> -> memref<1x128xi32, #tpu.memory_space<vmem>>
    %dma_start3A_29 = tpu.memref_squeeze %dma_start3A_28 : memref<1x128xi32, #tpu.memory_space<vmem>> -> memref<128xi32, #tpu.memory_space<vmem>>
    %dma_start3A_30 = arith.constant 0 : i32
    %dma_start3A_31 = arith.constant 0 : i32
    %dma_start3A_32 = tpu.memref_slice %arg3[%dma_start3A_30, %dma_start3A_31] : memref<1000000x64xf32, #tpu.memory_space<hbm>> -> memref<1000000x64xf32, #tpu.memory_space<hbm>>
    tpu.enqueue_indirect_dma source(%dma_start3A_32 : memref<1000000x64xf32, #tpu.memory_space<hbm>>) target(%arg6 : memref<128x64xf32, #tpu.memory_space<vmem>>) offsets(%dma_start3A_29 : memref<128xi32, #tpu.memory_space<vmem>>) semaphore(%arg11 : memref<!tpu.dma_semaphore, #tpu.memory_space<semaphore_mem>>)
    %dma_start3A_33 = arith.constant 0 : i32
    %dma_start3A_34 = arith.constant 128 : i32
    %dma_start3A_35 = tpu.memref_slice %arg5[%dma_start3A_33, %dma_start3A_34] : memref<25x1024xi32, #tpu.memory_space<vmem>> -> memref<1x128xi32, #tpu.memory_space<vmem>>
    %dma_start3A_36 = tpu.memref_squeeze %dma_start3A_35 : memref<1x128xi32, #tpu.memory_space<vmem>> -> memref<128xi32, #tpu.memory_space<vmem>>
    %dma_start3A_37 = arith.constant 0 : i32
    %dma_start3A_38 = arith.constant 0 : i32
    %dma_start3A_39 = tpu.memref_slice %arg3[%dma_start3A_37, %dma_start3A_38] : memref<1000000x64xf32, #tpu.memory_space<hbm>> -> memref<1000000x64xf32, #tpu.memory_space<hbm>>
    tpu.enqueue_indirect_dma source(%dma_start3A_39 : memref<1000000x64xf32, #tpu.memory_space<hbm>>) target(%arg7 : memref<128x64xf32, #tpu.memory_space<vmem>>) offsets(%dma_start3A_36 : memref<128xi32, #tpu.memory_space<vmem>>) semaphore(%arg11 : memref<!tpu.dma_semaphore, #tpu.memory_space<semaphore_mem>>)
    %dma_start3A_40 = arith.constant 0 : i32
    %dma_start3A_41 = arith.constant 256 : i32
    %dma_start3A_42 = tpu.memref_slice %arg5[%dma_start3A_40, %dma_start3A_41] : memref<25x1024xi32, #tpu.memory_space<vmem>> -> memref<1x128xi32, #tpu.memory_space<vmem>>
    %dma_start3A_43 = tpu.memref_squeeze %dma_start3A_42 : memref<1x128xi32, #tpu.memory_space<vmem>> -> memref<128xi32, #tpu.memory_space<vmem>>
    %dma_start3A_44 = arith.constant 0 : i32
    %dma_start3A_45 = arith.constant 0 : i32
    %dma_start3A_46 = tpu.memref_slice %arg3[%dma_start3A_44, %dma_start3A_45] : memref<1000000x64xf32, #tpu.memory_space<hbm>> -> memref<1000000x64xf32, #tpu.memory_space<hbm>>
    tpu.enqueue_indirect_dma source(%dma_start3A_46 : memref<1000000x64xf32, #tpu.memory_space<hbm>>) target(%arg8 : memref<128x64xf32, #tpu.memory_space<vmem>>) offsets(%dma_start3A_43 : memref<128xi32, #tpu.memory_space<vmem>>) semaphore(%arg11 : memref<!tpu.dma_semaphore, #tpu.memory_space<semaphore_mem>>)
    %scan3A = arith.constant 0 : i32
    %scan3A_47 = arith.constant 0 : i32
    %scan3A_48 = arith.constant 25 : i32
    %scan3A_49 = arith.addi %scan3A_47, %scan3A_48 : i32
    %scan3A_50 = arith.constant 1 : i32
    scf.for %scan3A_75 = %scan3A_47 to %scan3A_49 step %scan3A_50  : i32 {
      %gt3A = arith.constant 0 : i32
      %gt3A_76 = arith.cmpi sgt, %scan3A_75, %gt3A : i32
      %convert_element_type3A = arith.extui %gt3A_76 : i1 to i32
      %cond3A = arith.constant 0 : i32
      %cond3A_77 = arith.cmpi ne, %convert_element_type3A, %cond3A : i32
      scf.if %cond3A_77 {
        %scan3A_214 = arith.constant 0 : i32
        %scan3A_215 = arith.constant 0 : i32
        %scan3A_216 = arith.constant 64 : i32
        %scan3A_217 = arith.addi %scan3A_215, %scan3A_216 : i32
        %scan3A_218 = arith.constant 1 : i32
        scf.for %scan3A_220 = %scan3A_215 to %scan3A_217 step %scan3A_218  : i32 {
          %dma_wait3A_221 = arith.constant 0 : i32
          %dma_wait3A_222 = arith.constant 0 : i32
          %dma_wait3A_223 = arith.constant 0 : i32
          %dma_wait3A_224 = tpu.memref_slice %arg10[%dma_wait3A_223] : memref<66048xf32, #tpu.memory_space<vmem>> -> memref<1024xf32, #tpu.memory_space<vmem>>
          %dma_wait3A_225 = arith.constant 0 : i32
          %dma_wait3A_226 = tpu.memref_slice %arg4[%dma_wait3A_221, %dma_wait3A_222, %dma_wait3A_225] : memref<64x800x1024xf32, #tpu.memory_space<hbm>> -> memref<1x1x1024xf32, #tpu.memory_space<hbm>>
          %dma_wait3A_227 = tpu.memref_squeeze %dma_wait3A_226 : memref<1x1x1024xf32, #tpu.memory_space<hbm>> -> memref<1024xf32, #tpu.memory_space<hbm>>
          %dma_wait3A_228 = arith.constant 0 : i32
          %dma_wait3A_229 = tpu.memref_slice %arg4[%dma_wait3A_221, %dma_wait3A_222, %dma_wait3A_228] : memref<64x800x1024xf32, #tpu.memory_space<hbm>> -> memref<1x1x1024xf32, #tpu.memory_space<hbm>>
          %dma_wait3A_230 = tpu.memref_squeeze %dma_wait3A_229 : memref<1x1x1024xf32, #tpu.memory_space<hbm>> -> memref<1024xf32, #tpu.memory_space<hbm>>
          %dma_wait3A_231 = arith.constant 0 : i32
          %dma_wait3A_232 = tpu.memref_slice %arg10[%dma_wait3A_231] : memref<66048xf32, #tpu.memory_space<vmem>> -> memref<1024xf32, #tpu.memory_space<vmem>>
          tpu.wait_dma2 semaphore(%arg12 : memref<!tpu.dma_semaphore, #tpu.memory_space<semaphore_mem>>) src(%dma_wait3A_232 : memref<1024xf32, #tpu.memory_space<vmem>>) dst(%dma_wait3A_230 : memref<1024xf32, #tpu.memory_space<hbm>>)
        }
        %scan3A_219 = arith.constant 64 : i32
      } else {
      }
      %dma_wait3A_78 = arith.constant 0 : i32
      %dma_wait3A_79 = arith.constant 0 : i32
      %dma_wait3A_80 = tpu.memref_slice %arg3[%dma_wait3A_78, %dma_wait3A_79] : memref<1000000x64xf32, #tpu.memory_space<hbm>> -> memref<128x64xf32, #tpu.memory_space<hbm>>
      %dma_wait3A_81 = arith.constant 0 : i32
      %dma_wait3A_82 = arith.constant 0 : i32
      %dma_wait3A_83 = tpu.memref_slice %arg3[%dma_wait3A_81, %dma_wait3A_82] : memref<1000000x64xf32, #tpu.memory_space<hbm>> -> memref<128x64xf32, #tpu.memory_space<hbm>>
      tpu.wait_dma2 semaphore(%arg11 : memref<!tpu.dma_semaphore, #tpu.memory_space<semaphore_mem>>) src(%dma_wait3A_83 : memref<128x64xf32, #tpu.memory_space<hbm>>) dst(%arg6 : memref<128x64xf32, #tpu.memory_space<vmem>>)
      %dma_start3A_84 = arith.constant 384 : i32
      %dma_start3A_85 = tpu.memref_slice %arg5[%scan3A_75, %dma_start3A_84] : memref<25x1024xi32, #tpu.memory_space<vmem>> -> memref<1x128xi32, #tpu.memory_space<vmem>>
      %dma_start3A_86 = tpu.memref_squeeze %dma_start3A_85 : memref<1x128xi32, #tpu.memory_space<vmem>> -> memref<128xi32, #tpu.memory_space<vmem>>
      %dma_start3A_87 = arith.constant 0 : i32
      %dma_start3A_88 = arith.constant 0 : i32
      %dma_start3A_89 = tpu.memref_slice %arg3[%dma_start3A_87, %dma_start3A_88] : memref<1000000x64xf32, #tpu.memory_space<hbm>> -> memref<1000000x64xf32, #tpu.memory_space<hbm>>
      tpu.enqueue_indirect_dma source(%dma_start3A_89 : memref<1000000x64xf32, #tpu.memory_space<hbm>>) target(%arg9 : memref<128x64xf32, #tpu.memory_space<vmem>>) offsets(%dma_start3A_86 : memref<128xi32, #tpu.memory_space<vmem>>) semaphore(%arg11 : memref<!tpu.dma_semaphore, #tpu.memory_space<semaphore_mem>>)
      %parallel_loop3A = arith.constant 0 : i32
      %parallel_loop3A_90 = arith.constant 128 : i32
      %parallel_loop3A_91 = arith.constant 1 : i32
      scf.for %parallel_loop3A_214 = %parallel_loop3A to %parallel_loop3A_90 step %parallel_loop3A_91  : i32 {
        %parallel_loop3A_215 = arith.index_cast %parallel_loop3A_214 : i32 to index
        %parallel_loop3A_216 = arith.constant 0 : index
        %parallel_loop3A_217 = tpu.vector_load %arg6[%parallel_loop3A_215, %parallel_loop3A_216] {strides = array<i32>} : memref<128x64xf32, #tpu.memory_space<vmem>>, vector<16xf32>,
        %parallel_loop3A_218 = arith.constant 0 : i32
        %parallel_loop3A_219 = arith.addi %parallel_loop3A_218, %parallel_loop3A_214 : i32
        %parallel_loop3A_220 = vector.broadcast %parallel_loop3A_219 : i32 to vector<16xi32>
        %parallel_loop3A_221 = arith.addi %mul3A_8, %parallel_loop3A_220 : vector<16xi32>
        tpu.vector_store_idx %arg10[%parallel_loop3A_221], %parallel_loop3A_217 : memref<66048xf32, #tpu.memory_space<vmem>>[vector<16xi32>], vector<16xf32>,
        %parallel_loop3A_222 = arith.index_cast %parallel_loop3A_214 : i32 to index
        %parallel_loop3A_223 = arith.constant 16 : index
        %parallel_loop3A_224 = tpu.vector_load %arg6[%parallel_loop3A_222, %parallel_loop3A_223] {strides = array<i32>} : memref<128x64xf32, #tpu.memory_space<vmem>>, vector<16xf32>,
        %parallel_loop3A_225 = arith.constant 0 : i32
        %parallel_loop3A_226 = arith.addi %parallel_loop3A_225, %parallel_loop3A_214 : i32
        %parallel_loop3A_227 = vector.broadcast %parallel_loop3A_226 : i32 to vector<16xi32>
        %parallel_loop3A_228 = arith.addi %mul3A_14, %parallel_loop3A_227 : vector<16xi32>
        tpu.vector_store_idx %arg10[%parallel_loop3A_228], %parallel_loop3A_224 : memref<66048xf32, #tpu.memory_space<vmem>>[vector<16xi32>], vector<16xf32>,
        %parallel_loop3A_229 = arith.index_cast %parallel_loop3A_214 : i32 to index
        %parallel_loop3A_230 = arith.constant 32 : index
        %parallel_loop3A_231 = tpu.vector_load %arg6[%parallel_loop3A_229, %parallel_loop3A_230] {strides = array<i32>} : memref<128x64xf32, #tpu.memory_space<vmem>>, vector<16xf32>,
        %parallel_loop3A_232 = arith.constant 0 : i32
        %parallel_loop3A_233 = arith.addi %parallel_loop3A_232, %parallel_loop3A_214 : i32
        %parallel_loop3A_234 = vector.broadcast %parallel_loop3A_233 : i32 to vector<16xi32>
        %parallel_loop3A_235 = arith.addi %mul3A_20, %parallel_loop3A_234 : vector<16xi32>
        tpu.vector_store_idx %arg10[%parallel_loop3A_235], %parallel_loop3A_231 : memref<66048xf32, #tpu.memory_space<vmem>>[vector<16xi32>], vector<16xf32>,
        %parallel_loop3A_236 = arith.index_cast %parallel_loop3A_214 : i32 to index
        %parallel_loop3A_237 = arith.constant 48 : index
        %parallel_loop3A_238 = tpu.vector_load %arg6[%parallel_loop3A_236, %parallel_loop3A_237] {strides = array<i32>} : memref<128x64xf32, #tpu.memory_space<vmem>>, vector<16xf32>,
        %parallel_loop3A_239 = arith.constant 0 : i32
        %parallel_loop3A_240 = arith.addi %parallel_loop3A_239, %parallel_loop3A_214 : i32
        %parallel_loop3A_241 = vector.broadcast %parallel_loop3A_240 : i32 to vector<16xi32>
        %parallel_loop3A_242 = arith.addi %mul3A_26, %parallel_loop3A_241 : vector<16xi32>
        tpu.vector_store_idx %arg10[%parallel_loop3A_242], %parallel_loop3A_238 : memref<66048xf32, #tpu.memory_space<vmem>>[vector<16xi32>], vector<16xf32>,
      } {sc.loop_unroll_factor = 8 : i64, sc.parallel_access}
      %dma_wait3A_92 = arith.constant 0 : i32
      %dma_wait3A_93 = arith.constant 0 : i32
      %dma_wait3A_94 = tpu.memref_slice %arg3[%dma_wait3A_92, %dma_wait3A_93] : memref<1000000x64xf32, #tpu.memory_space<hbm>> -> memref<128x64xf32, #tpu.memory_space<hbm>>
      %dma_wait3A_95 = arith.constant 0 : i32
      %dma_wait3A_96 = arith.constant 0 : i32
      %dma_wait3A_97 = tpu.memref_slice %arg3[%dma_wait3A_95, %dma_wait3A_96] : memref<1000000x64xf32, #tpu.memory_space<hbm>> -> memref<128x64xf32, #tpu.memory_space<hbm>>
      tpu.wait_dma2 semaphore(%arg11 : memref<!tpu.dma_semaphore, #tpu.memory_space<semaphore_mem>>) src(%dma_wait3A_97 : memref<128x64xf32, #tpu.memory_space<hbm>>) dst(%arg6 : memref<128x64xf32, #tpu.memory_space<vmem>>)
      %dma_start3A_98 = arith.constant 512 : i32
      %dma_start3A_99 = tpu.memref_slice %arg5[%scan3A_75, %dma_start3A_98] : memref<25x1024xi32, #tpu.memory_space<vmem>> -> memref<1x128xi32, #tpu.memory_space<vmem>>
      %dma_start3A_100 = tpu.memref_squeeze %dma_start3A_99 : memref<1x128xi32, #tpu.memory_space<vmem>> -> memref<128xi32, #tpu.memory_space<vmem>>
      %dma_start3A_101 = arith.constant 0 : i32
      %dma_start3A_102 = arith.constant 0 : i32
      %dma_start3A_103 = tpu.memref_slice %arg3[%dma_start3A_101, %dma_start3A_102] : memref<1000000x64xf32, #tpu.memory_space<hbm>> -> memref<1000000x64xf32, #tpu.memory_space<hbm>>
      tpu.enqueue_indirect_dma source(%dma_start3A_103 : memref<1000000x64xf32, #tpu.memory_space<hbm>>) target(%arg6 : memref<128x64xf32, #tpu.memory_space<vmem>>) offsets(%dma_start3A_100 : memref<128xi32, #tpu.memory_space<vmem>>) semaphore(%arg11 : memref<!tpu.dma_semaphore, #tpu.memory_space<semaphore_mem>>)
      %parallel_loop3A_104 = arith.constant 0 : i32
      %parallel_loop3A_105 = arith.constant 128 : i32
      %parallel_loop3A_106 = arith.constant 1 : i32
      scf.for %parallel_loop3A_214 = %parallel_loop3A_104 to %parallel_loop3A_105 step %parallel_loop3A_106  : i32 {
        %parallel_loop3A_215 = arith.index_cast %parallel_loop3A_214 : i32 to index
        %parallel_loop3A_216 = arith.constant 0 : index
        %parallel_loop3A_217 = tpu.vector_load %arg7[%parallel_loop3A_215, %parallel_loop3A_216] {strides = array<i32>} : memref<128x64xf32, #tpu.memory_space<vmem>>, vector<16xf32>,
        %parallel_loop3A_218 = arith.constant 128 : i32
        %parallel_loop3A_219 = arith.addi %parallel_loop3A_218, %parallel_loop3A_214 : i32
        %parallel_loop3A_220 = vector.broadcast %parallel_loop3A_219 : i32 to vector<16xi32>
        %parallel_loop3A_221 = arith.addi %mul3A_8, %parallel_loop3A_220 : vector<16xi32>
        tpu.vector_store_idx %arg10[%parallel_loop3A_221], %parallel_loop3A_217 : memref<66048xf32, #tpu.memory_space<vmem>>[vector<16xi32>], vector<16xf32>,
        %parallel_loop3A_222 = arith.index_cast %parallel_loop3A_214 : i32 to index
        %parallel_loop3A_223 = arith.constant 16 : index
        %parallel_loop3A_224 = tpu.vector_load %arg7[%parallel_loop3A_222, %parallel_loop3A_223] {strides = array<i32>} : memref<128x64xf32, #tpu.memory_space<vmem>>, vector<16xf32>,
        %parallel_loop3A_225 = arith.constant 128 : i32
        %parallel_loop3A_226 = arith.addi %parallel_loop3A_225, %parallel_loop3A_214 : i32
        %parallel_loop3A_227 = vector.broadcast %parallel_loop3A_226 : i32 to vector<16xi32>
        %parallel_loop3A_228 = arith.addi %mul3A_14, %parallel_loop3A_227 : vector<16xi32>
        tpu.vector_store_idx %arg10[%parallel_loop3A_228], %parallel_loop3A_224 : memref<66048xf32, #tpu.memory_space<vmem>>[vector<16xi32>], vector<16xf32>,
        %parallel_loop3A_229 = arith.index_cast %parallel_loop3A_214 : i32 to index
        %parallel_loop3A_230 = arith.constant 32 : index
        %parallel_loop3A_231 = tpu.vector_load %arg7[%parallel_loop3A_229, %parallel_loop3A_230] {strides = array<i32>} : memref<128x64xf32, #tpu.memory_space<vmem>>, vector<16xf32>,
        %parallel_loop3A_232 = arith.constant 128 : i32
        %parallel_loop3A_233 = arith.addi %parallel_loop3A_232, %parallel_loop3A_214 : i32
        %parallel_loop3A_234 = vector.broadcast %parallel_loop3A_233 : i32 to vector<16xi32>
        %parallel_loop3A_235 = arith.addi %mul3A_20, %parallel_loop3A_234 : vector<16xi32>
        tpu.vector_store_idx %arg10[%parallel_loop3A_235], %parallel_loop3A_231 : memref<66048xf32, #tpu.memory_space<vmem>>[vector<16xi32>], vector<16xf32>,
        %parallel_loop3A_236 = arith.index_cast %parallel_loop3A_214 : i32 to index
        %parallel_loop3A_237 = arith.constant 48 : index
        %parallel_loop3A_238 = tpu.vector_load %arg7[%parallel_loop3A_236, %parallel_loop3A_237] {strides = array<i32>} : memref<128x64xf32, #tpu.memory_space<vmem>>, vector<16xf32>,
        %parallel_loop3A_239 = arith.constant 128 : i32
        %parallel_loop3A_240 = arith.addi %parallel_loop3A_239, %parallel_loop3A_214 : i32
        %parallel_loop3A_241 = vector.broadcast %parallel_loop3A_240 : i32 to vector<16xi32>
        %parallel_loop3A_242 = arith.addi %mul3A_26, %parallel_loop3A_241 : vector<16xi32>
        tpu.vector_store_idx %arg10[%parallel_loop3A_242], %parallel_loop3A_238 : memref<66048xf32, #tpu.memory_space<vmem>>[vector<16xi32>], vector<16xf32>,
      } {sc.loop_unroll_factor = 8 : i64, sc.parallel_access}
      %dma_wait3A_107 = arith.constant 0 : i32
      %dma_wait3A_108 = arith.constant 0 : i32
      %dma_wait3A_109 = tpu.memref_slice %arg3[%dma_wait3A_107, %dma_wait3A_108] : memref<1000000x64xf32, #tpu.memory_space<hbm>> -> memref<128x64xf32, #tpu.memory_space<hbm>>
      %dma_wait3A_110 = arith.constant 0 : i32
      %dma_wait3A_111 = arith.constant 0 : i32
      %dma_wait3A_112 = tpu.memref_slice %arg3[%dma_wait3A_110, %dma_wait3A_111] : memref<1000000x64xf32, #tpu.memory_space<hbm>> -> memref<128x64xf32, #tpu.memory_space<hbm>>
      tpu.wait_dma2 semaphore(%arg11 : memref<!tpu.dma_semaphore, #tpu.memory_space<semaphore_mem>>) src(%dma_wait3A_112 : memref<128x64xf32, #tpu.memory_space<hbm>>) dst(%arg6 : memref<128x64xf32, #tpu.memory_space<vmem>>)
      %dma_start3A_113 = arith.constant 640 : i32
      %dma_start3A_114 = tpu.memref_slice %arg5[%scan3A_75, %dma_start3A_113] : memref<25x1024xi32, #tpu.memory_space<vmem>> -> memref<1x128xi32, #tpu.memory_space<vmem>>
      %dma_start3A_115 = tpu.memref_squeeze %dma_start3A_114 : memref<1x128xi32, #tpu.memory_space<vmem>> -> memref<128xi32, #tpu.memory_space<vmem>>
      %dma_start3A_116 = arith.constant 0 : i32
      %dma_start3A_117 = arith.constant 0 : i32
      %dma_start3A_118 = tpu.memref_slice %arg3[%dma_start3A_116, %dma_start3A_117] : memref<1000000x64xf32, #tpu.memory_space<hbm>> -> memref<1000000x64xf32, #tpu.memory_space<hbm>>
      tpu.enqueue_indirect_dma source(%dma_start3A_118 : memref<1000000x64xf32, #tpu.memory_space<hbm>>) target(%arg7 : memref<128x64xf32, #tpu.memory_space<vmem>>) offsets(%dma_start3A_115 : memref<128xi32, #tpu.memory_space<vmem>>) semaphore(%arg11 : memref<!tpu.dma_semaphore, #tpu.memory_space<semaphore_mem>>)
      %parallel_loop3A_119 = arith.constant 0 : i32
      %parallel_loop3A_120 = arith.constant 128 : i32
      %parallel_loop3A_121 = arith.constant 1 : i32
      scf.for %parallel_loop3A_214 = %parallel_loop3A_119 to %parallel_loop3A_120 step %parallel_loop3A_121  : i32 {
        %parallel_loop3A_215 = arith.index_cast %parallel_loop3A_214 : i32 to index
        %parallel_loop3A_216 = arith.constant 0 : index
        %parallel_loop3A_217 = tpu.vector_load %arg8[%parallel_loop3A_215, %parallel_loop3A_216] {strides = array<i32>} : memref<128x64xf32, #tpu.memory_space<vmem>>, vector<16xf32>,
        %parallel_loop3A_218 = arith.constant 256 : i32
        %parallel_loop3A_219 = arith.addi %parallel_loop3A_218, %parallel_loop3A_214 : i32
        %parallel_loop3A_220 = vector.broadcast %parallel_loop3A_219 : i32 to vector<16xi32>
        %parallel_loop3A_221 = arith.addi %mul3A_8, %parallel_loop3A_220 : vector<16xi32>
        tpu.vector_store_idx %arg10[%parallel_loop3A_221], %parallel_loop3A_217 : memref<66048xf32, #tpu.memory_space<vmem>>[vector<16xi32>], vector<16xf32>,
        %parallel_loop3A_222 = arith.index_cast %parallel_loop3A_214 : i32 to index
        %parallel_loop3A_223 = arith.constant 16 : index
        %parallel_loop3A_224 = tpu.vector_load %arg8[%parallel_loop3A_222, %parallel_loop3A_223] {strides = array<i32>} : memref<128x64xf32, #tpu.memory_space<vmem>>, vector<16xf32>,
        %parallel_loop3A_225 = arith.constant 256 : i32
        %parallel_loop3A_226 = arith.addi %parallel_loop3A_225, %parallel_loop3A_214 : i32
        %parallel_loop3A_227 = vector.broadcast %parallel_loop3A_226 : i32 to vector<16xi32>
        %parallel_loop3A_228 = arith.addi %mul3A_14, %parallel_loop3A_227 : vector<16xi32>
        tpu.vector_store_idx %arg10[%parallel_loop3A_228], %parallel_loop3A_224 : memref<66048xf32, #tpu.memory_space<vmem>>[vector<16xi32>], vector<16xf32>,
        %parallel_loop3A_229 = arith.index_cast %parallel_loop3A_214 : i32 to index
        %parallel_loop3A_230 = arith.constant 32 : index
        %parallel_loop3A_231 = tpu.vector_load %arg8[%parallel_loop3A_229, %parallel_loop3A_230] {strides = array<i32>} : memref<128x64xf32, #tpu.memory_space<vmem>>, vector<16xf32>,
        %parallel_loop3A_232 = arith.constant 256 : i32
        %parallel_loop3A_233 = arith.addi %parallel_loop3A_232, %parallel_loop3A_214 : i32
        %parallel_loop3A_234 = vector.broadcast %parallel_loop3A_233 : i32 to vector<16xi32>
        %parallel_loop3A_235 = arith.addi %mul3A_20, %parallel_loop3A_234 : vector<16xi32>
        tpu.vector_store_idx %arg10[%parallel_loop3A_235], %parallel_loop3A_231 : memref<66048xf32, #tpu.memory_space<vmem>>[vector<16xi32>], vector<16xf32>,
        %parallel_loop3A_236 = arith.index_cast %parallel_loop3A_214 : i32 to index
        %parallel_loop3A_237 = arith.constant 48 : index
        %parallel_loop3A_238 = tpu.vector_load %arg8[%parallel_loop3A_236, %parallel_loop3A_237] {strides = array<i32>} : memref<128x64xf32, #tpu.memory_space<vmem>>, vector<16xf32>,
        %parallel_loop3A_239 = arith.constant 256 : i32
        %parallel_loop3A_240 = arith.addi %parallel_loop3A_239, %parallel_loop3A_214 : i32
        %parallel_loop3A_241 = vector.broadcast %parallel_loop3A_240 : i32 to vector<16xi32>
        %parallel_loop3A_242 = arith.addi %mul3A_26, %parallel_loop3A_241 : vector<16xi32>
        tpu.vector_store_idx %arg10[%parallel_loop3A_242], %parallel_loop3A_238 : memref<66048xf32, #tpu.memory_space<vmem>>[vector<16xi32>], vector<16xf32>,
      } {sc.loop_unroll_factor = 8 : i64, sc.parallel_access}
      %dma_wait3A_122 = arith.constant 0 : i32
      %dma_wait3A_123 = arith.constant 0 : i32
      %dma_wait3A_124 = tpu.memref_slice %arg3[%dma_wait3A_122, %dma_wait3A_123] : memref<1000000x64xf32, #tpu.memory_space<hbm>> -> memref<128x64xf32, #tpu.memory_space<hbm>>
      %dma_wait3A_125 = arith.constant 0 : i32
      %dma_wait3A_126 = arith.constant 0 : i32
      %dma_wait3A_127 = tpu.memref_slice %arg3[%dma_wait3A_125, %dma_wait3A_126] : memref<1000000x64xf32, #tpu.memory_space<hbm>> -> memref<128x64xf32, #tpu.memory_space<hbm>>
      tpu.wait_dma2 semaphore(%arg11 : memref<!tpu.dma_semaphore, #tpu.memory_space<semaphore_mem>>) src(%dma_wait3A_127 : memref<128x64xf32, #tpu.memory_space<hbm>>) dst(%arg6 : memref<128x64xf32, #tpu.memory_space<vmem>>)
      %dma_start3A_128 = arith.constant 768 : i32
      %dma_start3A_129 = tpu.memref_slice %arg5[%scan3A_75, %dma_start3A_128] : memref<25x1024xi32, #tpu.memory_space<vmem>> -> memref<1x128xi32, #tpu.memory_space<vmem>>
      %dma_start3A_130 = tpu.memref_squeeze %dma_start3A_129 : memref<1x128xi32, #tpu.memory_space<vmem>> -> memref<128xi32, #tpu.memory_space<vmem>>
      %dma_start3A_131 = arith.constant 0 : i32
      %dma_start3A_132 = arith.constant 0 : i32
      %dma_start3A_133 = tpu.memref_slice %arg3[%dma_start3A_131, %dma_start3A_132] : memref<1000000x64xf32, #tpu.memory_space<hbm>> -> memref<1000000x64xf32, #tpu.memory_space<hbm>>
      tpu.enqueue_indirect_dma source(%dma_start3A_133 : memref<1000000x64xf32, #tpu.memory_space<hbm>>) target(%arg8 : memref<128x64xf32, #tpu.memory_space<vmem>>) offsets(%dma_start3A_130 : memref<128xi32, #tpu.memory_space<vmem>>) semaphore(%arg11 : memref<!tpu.dma_semaphore, #tpu.memory_space<semaphore_mem>>)
      %parallel_loop3A_134 = arith.constant 0 : i32
      %parallel_loop3A_135 = arith.constant 128 : i32
      %parallel_loop3A_136 = arith.constant 1 : i32
      scf.for %parallel_loop3A_214 = %parallel_loop3A_134 to %parallel_loop3A_135 step %parallel_loop3A_136  : i32 {
        %parallel_loop3A_215 = arith.index_cast %parallel_loop3A_214 : i32 to index
        %parallel_loop3A_216 = arith.constant 0 : index
        %parallel_loop3A_217 = tpu.vector_load %arg9[%parallel_loop3A_215, %parallel_loop3A_216] {strides = array<i32>} : memref<128x64xf32, #tpu.memory_space<vmem>>, vector<16xf32>,
        %parallel_loop3A_218 = arith.constant 384 : i32
        %parallel_loop3A_219 = arith.addi %parallel_loop3A_218, %parallel_loop3A_214 : i32
        %parallel_loop3A_220 = vector.broadcast %parallel_loop3A_219 : i32 to vector<16xi32>
        %parallel_loop3A_221 = arith.addi %mul3A_8, %parallel_loop3A_220 : vector<16xi32>
        tpu.vector_store_idx %arg10[%parallel_loop3A_221], %parallel_loop3A_217 : memref<66048xf32, #tpu.memory_space<vmem>>[vector<16xi32>], vector<16xf32>,
        %parallel_loop3A_222 = arith.index_cast %parallel_loop3A_214 : i32 to index
        %parallel_loop3A_223 = arith.constant 16 : index
        %parallel_loop3A_224 = tpu.vector_load %arg9[%parallel_loop3A_222, %parallel_loop3A_223] {strides = array<i32>} : memref<128x64xf32, #tpu.memory_space<vmem>>, vector<16xf32>,
        %parallel_loop3A_225 = arith.constant 384 : i32
        %parallel_loop3A_226 = arith.addi %parallel_loop3A_225, %parallel_loop3A_214 : i32
        %parallel_loop3A_227 = vector.broadcast %parallel_loop3A_226 : i32 to vector<16xi32>
        %parallel_loop3A_228 = arith.addi %mul3A_14, %parallel_loop3A_227 : vector<16xi32>
        tpu.vector_store_idx %arg10[%parallel_loop3A_228], %parallel_loop3A_224 : memref<66048xf32, #tpu.memory_space<vmem>>[vector<16xi32>], vector<16xf32>,
        %parallel_loop3A_229 = arith.index_cast %parallel_loop3A_214 : i32 to index
        %parallel_loop3A_230 = arith.constant 32 : index
        %parallel_loop3A_231 = tpu.vector_load %arg9[%parallel_loop3A_229, %parallel_loop3A_230] {strides = array<i32>} : memref<128x64xf32, #tpu.memory_space<vmem>>, vector<16xf32>,
        %parallel_loop3A_232 = arith.constant 384 : i32
        %parallel_loop3A_233 = arith.addi %parallel_loop3A_232, %parallel_loop3A_214 : i32
        %parallel_loop3A_234 = vector.broadcast %parallel_loop3A_233 : i32 to vector<16xi32>
        %parallel_loop3A_235 = arith.addi %mul3A_20, %parallel_loop3A_234 : vector<16xi32>
        tpu.vector_store_idx %arg10[%parallel_loop3A_235], %parallel_loop3A_231 : memref<66048xf32, #tpu.memory_space<vmem>>[vector<16xi32>], vector<16xf32>,
        %parallel_loop3A_236 = arith.index_cast %parallel_loop3A_214 : i32 to index
        %parallel_loop3A_237 = arith.constant 48 : index
        %parallel_loop3A_238 = tpu.vector_load %arg9[%parallel_loop3A_236, %parallel_loop3A_237] {strides = array<i32>} : memref<128x64xf32, #tpu.memory_space<vmem>>, vector<16xf32>,
        %parallel_loop3A_239 = arith.constant 384 : i32
        %parallel_loop3A_240 = arith.addi %parallel_loop3A_239, %parallel_loop3A_214 : i32
        %parallel_loop3A_241 = vector.broadcast %parallel_loop3A_240 : i32 to vector<16xi32>
        %parallel_loop3A_242 = arith.addi %mul3A_26, %parallel_loop3A_241 : vector<16xi32>
        tpu.vector_store_idx %arg10[%parallel_loop3A_242], %parallel_loop3A_238 : memref<66048xf32, #tpu.memory_space<vmem>>[vector<16xi32>], vector<16xf32>,
      } {sc.loop_unroll_factor = 8 : i64, sc.parallel_access}
      %dma_wait3A_137 = arith.constant 0 : i32
      %dma_wait3A_138 = arith.constant 0 : i32
      %dma_wait3A_139 = tpu.memref_slice %arg3[%dma_wait3A_137, %dma_wait3A_138] : memref<1000000x64xf32, #tpu.memory_space<hbm>> -> memref<128x64xf32, #tpu.memory_space<hbm>>
      %dma_wait3A_140 = arith.constant 0 : i32
      %dma_wait3A_141 = arith.constant 0 : i32
      %dma_wait3A_142 = tpu.memref_slice %arg3[%dma_wait3A_140, %dma_wait3A_141] : memref<1000000x64xf32, #tpu.memory_space<hbm>> -> memref<128x64xf32, #tpu.memory_space<hbm>>
      tpu.wait_dma2 semaphore(%arg11 : memref<!tpu.dma_semaphore, #tpu.memory_space<semaphore_mem>>) src(%dma_wait3A_142 : memref<128x64xf32, #tpu.memory_space<hbm>>) dst(%arg6 : memref<128x64xf32, #tpu.memory_space<vmem>>)
      %dma_start3A_143 = arith.constant 896 : i32
      %dma_start3A_144 = tpu.memref_slice %arg5[%scan3A_75, %dma_start3A_143] : memref<25x1024xi32, #tpu.memory_space<vmem>> -> memref<1x128xi32, #tpu.memory_space<vmem>>
      %dma_start3A_145 = tpu.memref_squeeze %dma_start3A_144 : memref<1x128xi32, #tpu.memory_space<vmem>> -> memref<128xi32, #tpu.memory_space<vmem>>
      %dma_start3A_146 = arith.constant 0 : i32
      %dma_start3A_147 = arith.constant 0 : i32
      %dma_start3A_148 = tpu.memref_slice %arg3[%dma_start3A_146, %dma_start3A_147] : memref<1000000x64xf32, #tpu.memory_space<hbm>> -> memref<1000000x64xf32, #tpu.memory_space<hbm>>
      tpu.enqueue_indirect_dma source(%dma_start3A_148 : memref<1000000x64xf32, #tpu.memory_space<hbm>>) target(%arg9 : memref<128x64xf32, #tpu.memory_space<vmem>>) offsets(%dma_start3A_145 : memref<128xi32, #tpu.memory_space<vmem>>) semaphore(%arg11 : memref<!tpu.dma_semaphore, #tpu.memory_space<semaphore_mem>>)
      %parallel_loop3A_149 = arith.constant 0 : i32
      %parallel_loop3A_150 = arith.constant 128 : i32
      %parallel_loop3A_151 = arith.constant 1 : i32
      scf.for %parallel_loop3A_214 = %parallel_loop3A_149 to %parallel_loop3A_150 step %parallel_loop3A_151  : i32 {
        %parallel_loop3A_215 = arith.index_cast %parallel_loop3A_214 : i32 to index
        %parallel_loop3A_216 = arith.constant 0 : index
        %parallel_loop3A_217 = tpu.vector_load %arg6[%parallel_loop3A_215, %parallel_loop3A_216] {strides = array<i32>} : memref<128x64xf32, #tpu.memory_space<vmem>>, vector<16xf32>,
        %parallel_loop3A_218 = arith.constant 512 : i32
        %parallel_loop3A_219 = arith.addi %parallel_loop3A_218, %parallel_loop3A_214 : i32
        %parallel_loop3A_220 = vector.broadcast %parallel_loop3A_219 : i32 to vector<16xi32>
        %parallel_loop3A_221 = arith.addi %mul3A_8, %parallel_loop3A_220 : vector<16xi32>
        tpu.vector_store_idx %arg10[%parallel_loop3A_221], %parallel_loop3A_217 : memref<66048xf32, #tpu.memory_space<vmem>>[vector<16xi32>], vector<16xf32>,
        %parallel_loop3A_222 = arith.index_cast %parallel_loop3A_214 : i32 to index
        %parallel_loop3A_223 = arith.constant 16 : index
        %parallel_loop3A_224 = tpu.vector_load %arg6[%parallel_loop3A_222, %parallel_loop3A_223] {strides = array<i32>} : memref<128x64xf32, #tpu.memory_space<vmem>>, vector<16xf32>,
        %parallel_loop3A_225 = arith.constant 512 : i32
        %parallel_loop3A_226 = arith.addi %parallel_loop3A_225, %parallel_loop3A_214 : i32
        %parallel_loop3A_227 = vector.broadcast %parallel_loop3A_226 : i32 to vector<16xi32>
        %parallel_loop3A_228 = arith.addi %mul3A_14, %parallel_loop3A_227 : vector<16xi32>
        tpu.vector_store_idx %arg10[%parallel_loop3A_228], %parallel_loop3A_224 : memref<66048xf32, #tpu.memory_space<vmem>>[vector<16xi32>], vector<16xf32>,
        %parallel_loop3A_229 = arith.index_cast %parallel_loop3A_214 : i32 to index
        %parallel_loop3A_230 = arith.constant 32 : index
        %parallel_loop3A_231 = tpu.vector_load %arg6[%parallel_loop3A_229, %parallel_loop3A_230] {strides = array<i32>} : memref<128x64xf32, #tpu.memory_space<vmem>>, vector<16xf32>,
        %parallel_loop3A_232 = arith.constant 512 : i32
        %parallel_loop3A_233 = arith.addi %parallel_loop3A_232, %parallel_loop3A_214 : i32
        %parallel_loop3A_234 = vector.broadcast %parallel_loop3A_233 : i32 to vector<16xi32>
        %parallel_loop3A_235 = arith.addi %mul3A_20, %parallel_loop3A_234 : vector<16xi32>
        tpu.vector_store_idx %arg10[%parallel_loop3A_235], %parallel_loop3A_231 : memref<66048xf32, #tpu.memory_space<vmem>>[vector<16xi32>], vector<16xf32>,
        %parallel_loop3A_236 = arith.index_cast %parallel_loop3A_214 : i32 to index
        %parallel_loop3A_237 = arith.constant 48 : index
        %parallel_loop3A_238 = tpu.vector_load %arg6[%parallel_loop3A_236, %parallel_loop3A_237] {strides = array<i32>} : memref<128x64xf32, #tpu.memory_space<vmem>>, vector<16xf32>,
        %parallel_loop3A_239 = arith.constant 512 : i32
        %parallel_loop3A_240 = arith.addi %parallel_loop3A_239, %parallel_loop3A_214 : i32
        %parallel_loop3A_241 = vector.broadcast %parallel_loop3A_240 : i32 to vector<16xi32>
        %parallel_loop3A_242 = arith.addi %mul3A_26, %parallel_loop3A_241 : vector<16xi32>
        tpu.vector_store_idx %arg10[%parallel_loop3A_242], %parallel_loop3A_238 : memref<66048xf32, #tpu.memory_space<vmem>>[vector<16xi32>], vector<16xf32>,
      } {sc.loop_unroll_factor = 8 : i64, sc.parallel_access}
      %dma_wait3A_152 = arith.constant 0 : i32
      %dma_wait3A_153 = arith.constant 0 : i32
      %dma_wait3A_154 = tpu.memref_slice %arg3[%dma_wait3A_152, %dma_wait3A_153] : memref<1000000x64xf32, #tpu.memory_space<hbm>> -> memref<128x64xf32, #tpu.memory_space<hbm>>
      %dma_wait3A_155 = arith.constant 0 : i32
      %dma_wait3A_156 = arith.constant 0 : i32
      %dma_wait3A_157 = tpu.memref_slice %arg3[%dma_wait3A_155, %dma_wait3A_156] : memref<1000000x64xf32, #tpu.memory_space<hbm>> -> memref<128x64xf32, #tpu.memory_space<hbm>>
      tpu.wait_dma2 semaphore(%arg11 : memref<!tpu.dma_semaphore, #tpu.memory_space<semaphore_mem>>) src(%dma_wait3A_157 : memref<128x64xf32, #tpu.memory_space<hbm>>) dst(%arg6 : memref<128x64xf32, #tpu.memory_space<vmem>>)
      %add3A_158 = arith.constant 1 : i32
      %add3A_159 = arith.addi %scan3A_75, %add3A_158 : i32
      %min3A = arith.constant 24 : i32
      %min3A_160 = arith.minsi %add3A_159, %min3A : i32
      %dma_start3A_161 = arith.constant 0 : i32
      %dma_start3A_162 = tpu.memref_slice %arg5[%min3A_160, %dma_start3A_161] : memref<25x1024xi32, #tpu.memory_space<vmem>> -> memref<1x128xi32, #tpu.memory_space<vmem>>
      %dma_start3A_163 = tpu.memref_squeeze %dma_start3A_162 : memref<1x128xi32, #tpu.memory_space<vmem>> -> memref<128xi32, #tpu.memory_space<vmem>>
      %dma_start3A_164 = arith.constant 0 : i32
      %dma_start3A_165 = arith.constant 0 : i32
      %dma_start3A_166 = tpu.memref_slice %arg3[%dma_start3A_164, %dma_start3A_165] : memref<1000000x64xf32, #tpu.memory_space<hbm>> -> memref<1000000x64xf32, #tpu.memory_space<hbm>>
      tpu.enqueue_indirect_dma source(%dma_start3A_166 : memref<1000000x64xf32, #tpu.memory_space<hbm>>) target(%arg6 : memref<128x64xf32, #tpu.memory_space<vmem>>) offsets(%dma_start3A_163 : memref<128xi32, #tpu.memory_space<vmem>>) semaphore(%arg11 : memref<!tpu.dma_semaphore, #tpu.memory_space<semaphore_mem>>)
      %parallel_loop3A_167 = arith.constant 0 : i32
      %parallel_loop3A_168 = arith.constant 128 : i32
      %parallel_loop3A_169 = arith.constant 1 : i32
      scf.for %parallel_loop3A_214 = %parallel_loop3A_167 to %parallel_loop3A_168 step %parallel_loop3A_169  : i32 {
        %parallel_loop3A_215 = arith.index_cast %parallel_loop3A_214 : i32 to index
        %parallel_loop3A_216 = arith.constant 0 : index
        %parallel_loop3A_217 = tpu.vector_load %arg7[%parallel_loop3A_215, %parallel_loop3A_216] {strides = array<i32>} : memref<128x64xf32, #tpu.memory_space<vmem>>, vector<16xf32>,
        %parallel_loop3A_218 = arith.constant 640 : i32
        %parallel_loop3A_219 = arith.addi %parallel_loop3A_218, %parallel_loop3A_214 : i32
        %parallel_loop3A_220 = vector.broadcast %parallel_loop3A_219 : i32 to vector<16xi32>
        %parallel_loop3A_221 = arith.addi %mul3A_8, %parallel_loop3A_220 : vector<16xi32>
        tpu.vector_store_idx %arg10[%parallel_loop3A_221], %parallel_loop3A_217 : memref<66048xf32, #tpu.memory_space<vmem>>[vector<16xi32>], vector<16xf32>,
        %parallel_loop3A_222 = arith.index_cast %parallel_loop3A_214 : i32 to index
        %parallel_loop3A_223 = arith.constant 16 : index
        %parallel_loop3A_224 = tpu.vector_load %arg7[%parallel_loop3A_222, %parallel_loop3A_223] {strides = array<i32>} : memref<128x64xf32, #tpu.memory_space<vmem>>, vector<16xf32>,
        %parallel_loop3A_225 = arith.constant 640 : i32
        %parallel_loop3A_226 = arith.addi %parallel_loop3A_225, %parallel_loop3A_214 : i32
        %parallel_loop3A_227 = vector.broadcast %parallel_loop3A_226 : i32 to vector<16xi32>
        %parallel_loop3A_228 = arith.addi %mul3A_14, %parallel_loop3A_227 : vector<16xi32>
        tpu.vector_store_idx %arg10[%parallel_loop3A_228], %parallel_loop3A_224 : memref<66048xf32, #tpu.memory_space<vmem>>[vector<16xi32>], vector<16xf32>,
        %parallel_loop3A_229 = arith.index_cast %parallel_loop3A_214 : i32 to index
        %parallel_loop3A_230 = arith.constant 32 : index
        %parallel_loop3A_231 = tpu.vector_load %arg7[%parallel_loop3A_229, %parallel_loop3A_230] {strides = array<i32>} : memref<128x64xf32, #tpu.memory_space<vmem>>, vector<16xf32>,
        %parallel_loop3A_232 = arith.constant 640 : i32
        %parallel_loop3A_233 = arith.addi %parallel_loop3A_232, %parallel_loop3A_214 : i32
        %parallel_loop3A_234 = vector.broadcast %parallel_loop3A_233 : i32 to vector<16xi32>
        %parallel_loop3A_235 = arith.addi %mul3A_20, %parallel_loop3A_234 : vector<16xi32>
        tpu.vector_store_idx %arg10[%parallel_loop3A_235], %parallel_loop3A_231 : memref<66048xf32, #tpu.memory_space<vmem>>[vector<16xi32>], vector<16xf32>,
        %parallel_loop3A_236 = arith.index_cast %parallel_loop3A_214 : i32 to index
        %parallel_loop3A_237 = arith.constant 48 : index
        %parallel_loop3A_238 = tpu.vector_load %arg7[%parallel_loop3A_236, %parallel_loop3A_237] {strides = array<i32>} : memref<128x64xf32, #tpu.memory_space<vmem>>, vector<16xf32>,
        %parallel_loop3A_239 = arith.constant 640 : i32
        %parallel_loop3A_240 = arith.addi %parallel_loop3A_239, %parallel_loop3A_214 : i32
        %parallel_loop3A_241 = vector.broadcast %parallel_loop3A_240 : i32 to vector<16xi32>
        %parallel_loop3A_242 = arith.addi %mul3A_26, %parallel_loop3A_241 : vector<16xi32>
        tpu.vector_store_idx %arg10[%parallel_loop3A_242], %parallel_loop3A_238 : memref<66048xf32, #tpu.memory_space<vmem>>[vector<16xi32>], vector<16xf32>,
      } {sc.loop_unroll_factor = 8 : i64, sc.parallel_access}
      %dma_wait3A_170 = arith.constant 0 : i32
      %dma_wait3A_171 = arith.constant 0 : i32
      %dma_wait3A_172 = tpu.memref_slice %arg3[%dma_wait3A_170, %dma_wait3A_171] : memref<1000000x64xf32, #tpu.memory_space<hbm>> -> memref<128x64xf32, #tpu.memory_space<hbm>>
      %dma_wait3A_173 = arith.constant 0 : i32
      %dma_wait3A_174 = arith.constant 0 : i32
      %dma_wait3A_175 = tpu.memref_slice %arg3[%dma_wait3A_173, %dma_wait3A_174] : memref<1000000x64xf32, #tpu.memory_space<hbm>> -> memref<128x64xf32, #tpu.memory_space<hbm>>
      tpu.wait_dma2 semaphore(%arg11 : memref<!tpu.dma_semaphore, #tpu.memory_space<semaphore_mem>>) src(%dma_wait3A_175 : memref<128x64xf32, #tpu.memory_space<hbm>>) dst(%arg6 : memref<128x64xf32, #tpu.memory_space<vmem>>)
      %add3A_176 = arith.constant 1 : i32
      %add3A_177 = arith.addi %scan3A_75, %add3A_176 : i32
      %min3A_178 = arith.constant 24 : i32
      %min3A_179 = arith.minsi %add3A_177, %min3A_178 : i32
      %dma_start3A_180 = arith.constant 128 : i32
      %dma_start3A_181 = tpu.memref_slice %arg5[%min3A_179, %dma_start3A_180] : memref<25x1024xi32, #tpu.memory_space<vmem>> -> memref<1x128xi32, #tpu.memory_space<vmem>>
      %dma_start3A_182 = tpu.memref_squeeze %dma_start3A_181 : memref<1x128xi32, #tpu.memory_space<vmem>> -> memref<128xi32, #tpu.memory_space<vmem>>
      %dma_start3A_183 = arith.constant 0 : i32
      %dma_start3A_184 = arith.constant 0 : i32
      %dma_start3A_185 = tpu.memref_slice %arg3[%dma_start3A_183, %dma_start3A_184] : memref<1000000x64xf32, #tpu.memory_space<hbm>> -> memref<1000000x64xf32, #tpu.memory_space<hbm>>
      tpu.enqueue_indirect_dma source(%dma_start3A_185 : memref<1000000x64xf32, #tpu.memory_space<hbm>>) target(%arg7 : memref<128x64xf32, #tpu.memory_space<vmem>>) offsets(%dma_start3A_182 : memref<128xi32, #tpu.memory_space<vmem>>) semaphore(%arg11 : memref<!tpu.dma_semaphore, #tpu.memory_space<semaphore_mem>>)
      %parallel_loop3A_186 = arith.constant 0 : i32
      %parallel_loop3A_187 = arith.constant 128 : i32
      %parallel_loop3A_188 = arith.constant 1 : i32
      scf.for %parallel_loop3A_214 = %parallel_loop3A_186 to %parallel_loop3A_187 step %parallel_loop3A_188  : i32 {
        %parallel_loop3A_215 = arith.index_cast %parallel_loop3A_214 : i32 to index
        %parallel_loop3A_216 = arith.constant 0 : index
        %parallel_loop3A_217 = tpu.vector_load %arg8[%parallel_loop3A_215, %parallel_loop3A_216] {strides = array<i32>} : memref<128x64xf32, #tpu.memory_space<vmem>>, vector<16xf32>,
        %parallel_loop3A_218 = arith.constant 768 : i32
        %parallel_loop3A_219 = arith.addi %parallel_loop3A_218, %parallel_loop3A_214 : i32
        %parallel_loop3A_220 = vector.broadcast %parallel_loop3A_219 : i32 to vector<16xi32>
        %parallel_loop3A_221 = arith.addi %mul3A_8, %parallel_loop3A_220 : vector<16xi32>
        tpu.vector_store_idx %arg10[%parallel_loop3A_221], %parallel_loop3A_217 : memref<66048xf32, #tpu.memory_space<vmem>>[vector<16xi32>], vector<16xf32>,
        %parallel_loop3A_222 = arith.index_cast %parallel_loop3A_214 : i32 to index
        %parallel_loop3A_223 = arith.constant 16 : index
        %parallel_loop3A_224 = tpu.vector_load %arg8[%parallel_loop3A_222, %parallel_loop3A_223] {strides = array<i32>} : memref<128x64xf32, #tpu.memory_space<vmem>>, vector<16xf32>,
        %parallel_loop3A_225 = arith.constant 768 : i32
        %parallel_loop3A_226 = arith.addi %parallel_loop3A_225, %parallel_loop3A_214 : i32
        %parallel_loop3A_227 = vector.broadcast %parallel_loop3A_226 : i32 to vector<16xi32>
        %parallel_loop3A_228 = arith.addi %mul3A_14, %parallel_loop3A_227 : vector<16xi32>
        tpu.vector_store_idx %arg10[%parallel_loop3A_228], %parallel_loop3A_224 : memref<66048xf32, #tpu.memory_space<vmem>>[vector<16xi32>], vector<16xf32>,
        %parallel_loop3A_229 = arith.index_cast %parallel_loop3A_214 : i32 to index
        %parallel_loop3A_230 = arith.constant 32 : index
        %parallel_loop3A_231 = tpu.vector_load %arg8[%parallel_loop3A_229, %parallel_loop3A_230] {strides = array<i32>} : memref<128x64xf32, #tpu.memory_space<vmem>>, vector<16xf32>,
        %parallel_loop3A_232 = arith.constant 768 : i32
        %parallel_loop3A_233 = arith.addi %parallel_loop3A_232, %parallel_loop3A_214 : i32
        %parallel_loop3A_234 = vector.broadcast %parallel_loop3A_233 : i32 to vector<16xi32>
        %parallel_loop3A_235 = arith.addi %mul3A_20, %parallel_loop3A_234 : vector<16xi32>
        tpu.vector_store_idx %arg10[%parallel_loop3A_235], %parallel_loop3A_231 : memref<66048xf32, #tpu.memory_space<vmem>>[vector<16xi32>], vector<16xf32>,
        %parallel_loop3A_236 = arith.index_cast %parallel_loop3A_214 : i32 to index
        %parallel_loop3A_237 = arith.constant 48 : index
        %parallel_loop3A_238 = tpu.vector_load %arg8[%parallel_loop3A_236, %parallel_loop3A_237] {strides = array<i32>} : memref<128x64xf32, #tpu.memory_space<vmem>>, vector<16xf32>,
        %parallel_loop3A_239 = arith.constant 768 : i32
        %parallel_loop3A_240 = arith.addi %parallel_loop3A_239, %parallel_loop3A_214 : i32
        %parallel_loop3A_241 = vector.broadcast %parallel_loop3A_240 : i32 to vector<16xi32>
        %parallel_loop3A_242 = arith.addi %mul3A_26, %parallel_loop3A_241 : vector<16xi32>
        tpu.vector_store_idx %arg10[%parallel_loop3A_242], %parallel_loop3A_238 : memref<66048xf32, #tpu.memory_space<vmem>>[vector<16xi32>], vector<16xf32>,
      } {sc.loop_unroll_factor = 8 : i64, sc.parallel_access}
      %dma_wait3A_189 = arith.constant 0 : i32
      %dma_wait3A_190 = arith.constant 0 : i32
      %dma_wait3A_191 = tpu.memref_slice %arg3[%dma_wait3A_189, %dma_wait3A_190] : memref<1000000x64xf32, #tpu.memory_space<hbm>> -> memref<128x64xf32, #tpu.memory_space<hbm>>
      %dma_wait3A_192 = arith.constant 0 : i32
      %dma_wait3A_193 = arith.constant 0 : i32
      %dma_wait3A_194 = tpu.memref_slice %arg3[%dma_wait3A_192, %dma_wait3A_193] : memref<1000000x64xf32, #tpu.memory_space<hbm>> -> memref<128x64xf32, #tpu.memory_space<hbm>>
      tpu.wait_dma2 semaphore(%arg11 : memref<!tpu.dma_semaphore, #tpu.memory_space<semaphore_mem>>) src(%dma_wait3A_194 : memref<128x64xf32, #tpu.memory_space<hbm>>) dst(%arg6 : memref<128x64xf32, #tpu.memory_space<vmem>>)
      %add3A_195 = arith.constant 1 : i32
      %add3A_196 = arith.addi %scan3A_75, %add3A_195 : i32
      %min3A_197 = arith.constant 24 : i32
      %min3A_198 = arith.minsi %add3A_196, %min3A_197 : i32
      %dma_start3A_199 = arith.constant 256 : i32
      %dma_start3A_200 = tpu.memref_slice %arg5[%min3A_198, %dma_start3A_199] : memref<25x1024xi32, #tpu.memory_space<vmem>> -> memref<1x128xi32, #tpu.memory_space<vmem>>
      %dma_start3A_201 = tpu.memref_squeeze %dma_start3A_200 : memref<1x128xi32, #tpu.memory_space<vmem>> -> memref<128xi32, #tpu.memory_space<vmem>>
      %dma_start3A_202 = arith.constant 0 : i32
      %dma_start3A_203 = arith.constant 0 : i32
      %dma_start3A_204 = tpu.memref_slice %arg3[%dma_start3A_202, %dma_start3A_203] : memref<1000000x64xf32, #tpu.memory_space<hbm>> -> memref<1000000x64xf32, #tpu.memory_space<hbm>>
      tpu.enqueue_indirect_dma source(%dma_start3A_204 : memref<1000000x64xf32, #tpu.memory_space<hbm>>) target(%arg8 : memref<128x64xf32, #tpu.memory_space<vmem>>) offsets(%dma_start3A_201 : memref<128xi32, #tpu.memory_space<vmem>>) semaphore(%arg11 : memref<!tpu.dma_semaphore, #tpu.memory_space<semaphore_mem>>)
      %parallel_loop3A_205 = arith.constant 0 : i32
      %parallel_loop3A_206 = arith.constant 128 : i32
      %parallel_loop3A_207 = arith.constant 1 : i32
      scf.for %parallel_loop3A_214 = %parallel_loop3A_205 to %parallel_loop3A_206 step %parallel_loop3A_207  : i32 {
        %parallel_loop3A_215 = arith.index_cast %parallel_loop3A_214 : i32 to index
        %parallel_loop3A_216 = arith.constant 0 : index
        %parallel_loop3A_217 = tpu.vector_load %arg9[%parallel_loop3A_215, %parallel_loop3A_216] {strides = array<i32>} : memref<128x64xf32, #tpu.memory_space<vmem>>, vector<16xf32>,
        %parallel_loop3A_218 = arith.constant 896 : i32
        %parallel_loop3A_219 = arith.addi %parallel_loop3A_218, %parallel_loop3A_214 : i32
        %parallel_loop3A_220 = vector.broadcast %parallel_loop3A_219 : i32 to vector<16xi32>
        %parallel_loop3A_221 = arith.addi %mul3A_8, %parallel_loop3A_220 : vector<16xi32>
        tpu.vector_store_idx %arg10[%parallel_loop3A_221], %parallel_loop3A_217 : memref<66048xf32, #tpu.memory_space<vmem>>[vector<16xi32>], vector<16xf32>,
        %parallel_loop3A_222 = arith.index_cast %parallel_loop3A_214 : i32 to index
        %parallel_loop3A_223 = arith.constant 16 : index
        %parallel_loop3A_224 = tpu.vector_load %arg9[%parallel_loop3A_222, %parallel_loop3A_223] {strides = array<i32>} : memref<128x64xf32, #tpu.memory_space<vmem>>, vector<16xf32>,
        %parallel_loop3A_225 = arith.constant 896 : i32
        %parallel_loop3A_226 = arith.addi %parallel_loop3A_225, %parallel_loop3A_214 : i32
        %parallel_loop3A_227 = vector.broadcast %parallel_loop3A_226 : i32 to vector<16xi32>
        %parallel_loop3A_228 = arith.addi %mul3A_14, %parallel_loop3A_227 : vector<16xi32>
        tpu.vector_store_idx %arg10[%parallel_loop3A_228], %parallel_loop3A_224 : memref<66048xf32, #tpu.memory_space<vmem>>[vector<16xi32>], vector<16xf32>,
        %parallel_loop3A_229 = arith.index_cast %parallel_loop3A_214 : i32 to index
        %parallel_loop3A_230 = arith.constant 32 : index
        %parallel_loop3A_231 = tpu.vector_load %arg9[%parallel_loop3A_229, %parallel_loop3A_230] {strides = array<i32>} : memref<128x64xf32, #tpu.memory_space<vmem>>, vector<16xf32>,
        %parallel_loop3A_232 = arith.constant 896 : i32
        %parallel_loop3A_233 = arith.addi %parallel_loop3A_232, %parallel_loop3A_214 : i32
        %parallel_loop3A_234 = vector.broadcast %parallel_loop3A_233 : i32 to vector<16xi32>
        %parallel_loop3A_235 = arith.addi %mul3A_20, %parallel_loop3A_234 : vector<16xi32>
        tpu.vector_store_idx %arg10[%parallel_loop3A_235], %parallel_loop3A_231 : memref<66048xf32, #tpu.memory_space<vmem>>[vector<16xi32>], vector<16xf32>,
        %parallel_loop3A_236 = arith.index_cast %parallel_loop3A_214 : i32 to index
        %parallel_loop3A_237 = arith.constant 48 : index
        %parallel_loop3A_238 = tpu.vector_load %arg9[%parallel_loop3A_236, %parallel_loop3A_237] {strides = array<i32>} : memref<128x64xf32, #tpu.memory_space<vmem>>, vector<16xf32>,
        %parallel_loop3A_239 = arith.constant 896 : i32
        %parallel_loop3A_240 = arith.addi %parallel_loop3A_239, %parallel_loop3A_214 : i32
        %parallel_loop3A_241 = vector.broadcast %parallel_loop3A_240 : i32 to vector<16xi32>
        %parallel_loop3A_242 = arith.addi %mul3A_26, %parallel_loop3A_241 : vector<16xi32>
        tpu.vector_store_idx %arg10[%parallel_loop3A_242], %parallel_loop3A_238 : memref<66048xf32, #tpu.memory_space<vmem>>[vector<16xi32>], vector<16xf32>,
      } {sc.loop_unroll_factor = 8 : i64, sc.parallel_access}
      %scan3A_208 = arith.constant 0 : i32
      %scan3A_209 = arith.constant 0 : i32
      %scan3A_210 = arith.constant 64 : i32
      %scan3A_211 = arith.addi %scan3A_209, %scan3A_210 : i32
      %scan3A_212 = arith.constant 1 : i32
      scf.for %scan3A_214 = %scan3A_209 to %scan3A_211 step %scan3A_212  : i32 {
        %mul3A_215 = arith.constant 1032 : i32
        %mul3A_216 = arith.muli %scan3A_214, %mul3A_215 : i32
        %add3A_217 = arith.addi %mul3A_2, %scan3A_75 : i32
        %dma_start3A_218 = tpu.memref_slice %arg10[%mul3A_216] : memref<66048xf32, #tpu.memory_space<vmem>> -> memref<1024xf32, #tpu.memory_space<vmem>>
        %dma_start3A_219 = arith.constant 0 : i32
        %dma_start3A_220 = tpu.memref_slice %arg4[%scan3A_214, %add3A_217, %dma_start3A_219] : memref<64x800x1024xf32, #tpu.memory_space<hbm>> -> memref<1x1x1024xf32, #tpu.memory_space<hbm>>
        %dma_start3A_221 = tpu.memref_squeeze %dma_start3A_220 : memref<1x1x1024xf32, #tpu.memory_space<hbm>> -> memref<1024xf32, #tpu.memory_space<hbm>>
        %dma_start3A_222 = arith.constant 0 : i32
        %dma_start3A_223 = tpu.memref_slice %arg4[%scan3A_214, %add3A_217, %dma_start3A_222] : memref<64x800x1024xf32, #tpu.memory_space<hbm>> -> memref<1x1x1024xf32, #tpu.memory_space<hbm>>
        %dma_start3A_224 = tpu.memref_squeeze %dma_start3A_223 : memref<1x1x1024xf32, #tpu.memory_space<hbm>> -> memref<1024xf32, #tpu.memory_space<hbm>>
        %dma_start3A_225 = tpu.memref_slice %arg10[%mul3A_216] : memref<66048xf32, #tpu.memory_space<vmem>> -> memref<1024xf32, #tpu.memory_space<vmem>>
        tpu.enqueue_dma source(%dma_start3A_225 : memref<1024xf32, #tpu.memory_space<vmem>>) target(%dma_start3A_224 : memref<1024xf32, #tpu.memory_space<hbm>>) target_semaphore(%arg12 : memref<!tpu.dma_semaphore, #tpu.memory_space<semaphore_mem>>)
      }
      %scan3A_213 = arith.constant 64 : i32
    }
    %scan3A_51 = arith.constant 25 : i32
    %dma_wait3A = arith.constant 0 : i32
    %dma_wait3A_52 = arith.constant 0 : i32
    %dma_wait3A_53 = tpu.memref_slice %arg3[%dma_wait3A, %dma_wait3A_52] : memref<1000000x64xf32, #tpu.memory_space<hbm>> -> memref<128x64xf32, #tpu.memory_space<hbm>>
    %dma_wait3A_54 = arith.constant 0 : i32
    %dma_wait3A_55 = arith.constant 0 : i32
    %dma_wait3A_56 = tpu.memref_slice %arg3[%dma_wait3A_54, %dma_wait3A_55] : memref<1000000x64xf32, #tpu.memory_space<hbm>> -> memref<128x64xf32, #tpu.memory_space<hbm>>
    tpu.wait_dma2 semaphore(%arg11 : memref<!tpu.dma_semaphore, #tpu.memory_space<semaphore_mem>>) src(%dma_wait3A_56 : memref<128x64xf32, #tpu.memory_space<hbm>>) dst(%arg6 : memref<128x64xf32, #tpu.memory_space<vmem>>)
    %dma_wait3A_57 = arith.constant 0 : i32
    %dma_wait3A_58 = arith.constant 0 : i32
    %dma_wait3A_59 = tpu.memref_slice %arg3[%dma_wait3A_57, %dma_wait3A_58] : memref<1000000x64xf32, #tpu.memory_space<hbm>> -> memref<128x64xf32, #tpu.memory_space<hbm>>
    %dma_wait3A_60 = arith.constant 0 : i32
    %dma_wait3A_61 = arith.constant 0 : i32
    %dma_wait3A_62 = tpu.memref_slice %arg3[%dma_wait3A_60, %dma_wait3A_61] : memref<1000000x64xf32, #tpu.memory_space<hbm>> -> memref<128x64xf32, #tpu.memory_space<hbm>>
    tpu.wait_dma2 semaphore(%arg11 : memref<!tpu.dma_semaphore, #tpu.memory_space<semaphore_mem>>) src(%dma_wait3A_62 : memref<128x64xf32, #tpu.memory_space<hbm>>) dst(%arg6 : memref<128x64xf32, #tpu.memory_space<vmem>>)
    %dma_wait3A_63 = arith.constant 0 : i32
    %dma_wait3A_64 = arith.constant 0 : i32
    %dma_wait3A_65 = tpu.memref_slice %arg3[%dma_wait3A_63, %dma_wait3A_64] : memref<1000000x64xf32, #tpu.memory_space<hbm>> -> memref<128x64xf32, #tpu.memory_space<hbm>>
    %dma_wait3A_66 = arith.constant 0 : i32
    %dma_wait3A_67 = arith.constant 0 : i32
    %dma_wait3A_68 = tpu.memref_slice %arg3[%dma_wait3A_66, %dma_wait3A_67] : memref<1000000x64xf32, #tpu.memory_space<hbm>> -> memref<128x64xf32, #tpu.memory_space<hbm>>
    tpu.wait_dma2 semaphore(%arg11 : memref<!tpu.dma_semaphore, #tpu.memory_space<semaphore_mem>>) src(%dma_wait3A_68 : memref<128x64xf32, #tpu.memory_space<hbm>>) dst(%arg6 : memref<128x64xf32, #tpu.memory_space<vmem>>)
    %scan3A_69 = arith.constant 0 : i32
    %scan3A_70 = arith.constant 0 : i32
    %scan3A_71 = arith.constant 64 : i32
    %scan3A_72 = arith.addi %scan3A_70, %scan3A_71 : i32
    %scan3A_73 = arith.constant 1 : i32
    scf.for %scan3A_75 = %scan3A_70 to %scan3A_72 step %scan3A_73  : i32 {
      %dma_wait3A_76 = arith.constant 0 : i32
      %dma_wait3A_77 = arith.constant 0 : i32
      %dma_wait3A_78 = arith.constant 0 : i32
      %dma_wait3A_79 = tpu.memref_slice %arg10[%dma_wait3A_78] : memref<66048xf32, #tpu.memory_space<vmem>> -> memref<1024xf32, #tpu.memory_space<vmem>>
      %dma_wait3A_80 = arith.constant 0 : i32
      %dma_wait3A_81 = tpu.memref_slice %arg4[%dma_wait3A_76, %dma_wait3A_77, %dma_wait3A_80] : memref<64x800x1024xf32, #tpu.memory_space<hbm>> -> memref<1x1x1024xf32, #tpu.memory_space<hbm>>
      %dma_wait3A_82 = tpu.memref_squeeze %dma_wait3A_81 : memref<1x1x1024xf32, #tpu.memory_space<hbm>> -> memref<1024xf32, #tpu.memory_space<hbm>>
      %dma_wait3A_83 = arith.constant 0 : i32
      %dma_wait3A_84 = tpu.memref_slice %arg4[%dma_wait3A_76, %dma_wait3A_77, %dma_wait3A_83] : memref<64x800x1024xf32, #tpu.memory_space<hbm>> -> memref<1x1x1024xf32, #tpu.memory_space<hbm>>
      %dma_wait3A_85 = tpu.memref_squeeze %dma_wait3A_84 : memref<1x1x1024xf32, #tpu.memory_space<hbm>> -> memref<1024xf32, #tpu.memory_space<hbm>>
      %dma_wait3A_86 = arith.constant 0 : i32
      %dma_wait3A_87 = tpu.memref_slice %arg10[%dma_wait3A_86] : memref<66048xf32, #tpu.memory_space<vmem>> -> memref<1024xf32, #tpu.memory_space<vmem>>
      tpu.wait_dma2 semaphore(%arg12 : memref<!tpu.dma_semaphore, #tpu.memory_space<semaphore_mem>>) src(%dma_wait3A_87 : memref<1024xf32, #tpu.memory_space<vmem>>) dst(%dma_wait3A_85 : memref<1024xf32, #tpu.memory_space<hbm>>)
    }
    %scan3A_74 = arith.constant 64 : i32
    return
  }
}

</mosaic_0001>

<sc_bundles>
// kernel: kernel.3.cloned.1.call-start
scs
__scs_entry_jumppad:
0x0: {  	(pc) =	sbr.rel $0x88, $3  }
0x1: {  	(tag) =	ssettag $0x0;
	lr =	simm.s32 $0x1  }
0x2: {  	[smem:$0x3F9F] =	sst lr;
	_ =	strace $0xD0000000  }
0x3: {  	_ = 	snop  }
0x4: {  	_ = 	snop  }
0x5: {  	_ = 	snop  }
0x6: {  	_ = 	snop  }
0x7: {  	_ = 	snop  }
__scs_overlays_trampoline_lowered:
0x8: {  	[smem:$0x3FAE] =	sst s0  }
0x9: {  	[smem:$0x3FAF] =	sst s1  }
0xa: {  	[smem:$0x3FB0] =	sst s2  }
0xb: {  	[smem:$0x3FB1] =	sst s3  }
0xc: {  	[smem:$0x3FB2] =	sst s4  }
0xd: {  	[smem:$0x3FB3] =	sst s5  }
0xe: {  	[smem:$0x3FB4] =	sst s6  }
0xf: {  	[smem:$0x3FB5] =	sst s7  }
0x10: {  	[smem:$0x3FB6] =	sst s8  }
0x11: {  	[smem:$0x3FB7] =	sst s9;
	s0 =	simm.s32 @!p0 $0x0  }
0x12: {  	s1 =	sld [smem:$0x3F9D];
	s0 =	simm.s32 @p0 $0x1  }
0x13: {  	[smem:$0x3FB8] =	sst s0;
	s0 =	simm.s32 @!p1 $0x0  }
0x14: {  	s2 =	sld [smem:$0x3F9C];
	s0 =	simm.s32 @p1 $0x1  }
0x15: {  	[smem:$0x3FB9] =	sst s0;
	s0 =	simm.s32 @!p2 $0x0  }
0x16: {  	s3 =	sld [smem:$0x3FDB];
	s0 =	simm.s32 @p2 $0x1  }
0x17: {  	s4 =	simm.s32 $0x1BF5;
	[smem:$0x3FBB] =	sst s0  }
0x18: {  	s0 =	sld [smem:$0x3F9E];
	_ =	swait.ge [sflag:s4], $0x0  }
0x19: {  	s7 =	sld [smem:$0x3F9F]  }
0x1a: {  	s8 =	sadd.s32 $0xFFFFE003, lr  }
0x1b: {  	s9 =	sadd.s32 $0xFFFFFEF7, lr;
	s5 =	simm.s32 $0xFFFFFFFF;
	p2 =	slt.u32 s8, $0xFFFFF086  }
0x1c: {  	p1 =	slt.u32 s9, $0xF7A;
	s5 =	simm.s32 @!p2 $0x0  }
0x1d: {  	s5 =	simm.s32 @p1 $0x1;
	p0 =	seq.s32 s7, s2  }
0x1e: {  	s7 =	smul.u32 @!p0 $0xF7A, s2;
	p2 =	seq.s32 @!p0 s5, $0x0  }
0x1f: {  	s9 =	smul.u32 $0xF7A, s1;
	s8 =	simm.s32 @!p0 $0x1BF5;
	p2 =	por !p2, p0  }
0x20: {  	[sflag:s8] =	ssyncset.s32 @!p0 $0xFFFFF086;
	s6 =	sadd.s32 @!p0 s3, s7;
	s7 =	simm.s32 @!p0 $0x108  }
0x21: {  	s3 =	sadd.s32 s3, s9;
	s6 =	sadd.s32 @!p0 $0x88, s6;
	s7 =	simm.s32 @p2 $0x1082  }
0x22: {  	[simem:s7], [sflag:s8] =	dma.local @!p0 [hbm:s6], $0xF7A  }
0x23: {  	s9 =	sor.u32 $0xD0000000, s2;
	s6 =	simm.s32 $0x108;
	_ =	swait.ge @!p0 [sflag:s8], $0x0  }
0x24: {  	s3 =	sadd.s32 $0x88, s3;
	s6 =	simm.s32 @!p1 $0x1082;
	[sflag:s4] =	ssyncset.s32 $0xFFFFF086  }
0x25: {  	[simem:s6], [sflag:s4] =	dma.local [hbm:s3], $0xF7A  }
0x26: {  	[smem:$0x3F9F] =	sst s1;
	(tag) =	ssettag s2;
	_ =	strace s9  }
0x27: {  	s1 =	sld [smem:$0x3FAF]  }
0x28: {  	s2 =	sld [smem:$0x3FB0]  }
0x29: {  	s4 =	sld [smem:$0x3FB2]  }
0x2a: {  	p0 =	seq.s32 s5, $0x0;
	s5 =	sld [smem:$0x3FB3]  }
0x2b: {  	s6 =	sld [smem:$0x3FB4]  }
0x2c: {  	s7 =	sld [smem:$0x3FB5]  }
0x2d: {  	s3 =	simm.s32 $0x108;
	s8 =	sld [smem:$0x3FB6]  }
0x2e: {  	s3 =	simm.s32 @!p0 $0x1082;
	s9 =	sld [smem:$0x3FB7]  }
0x2f: {  	lr =	sadd.s32 s0, s3;
	s0 =	sld [smem:$0x3FAE]  }
0x30: {  	s3 =	sld [smem:$0x3FB1]  }
0x31: {  	[smem:$0x3FBA] =	sst s10  }
0x32: {  	s10 =	sld [smem:$0x3FB8];
	_ =	sdelay $0x3  }
0x33: {  	p0 =	seq.s32 s10, $0x1;
	s10 =	sld [smem:$0x3FBA];
	_ =	sdelay $0x3  }
0x34: {  	[smem:$0x3FBA] =	sst s10  }
0x35: {  	s10 =	sld [smem:$0x3FB9];
	_ =	sdelay $0x3  }
0x36: {  	p1 =	seq.s32 s10, $0x1;
	s10 =	sld [smem:$0x3FBA];
	_ =	sdelay $0x3  }
0x37: {  	[smem:$0x3FBA] =	sst s10  }
0x38: {  	s10 =	sld [smem:$0x3FBB]  }
0x39: {  	_ = 	snop;
	(pc) =	sbr.ind lr, $3  }
0x3a: {  	_ = 	snop  }
0x3b: {  	_ = 	snop  }
0x3c: {  	p2 =	seq.s32 s10, $0x1;
	s10 =	sld [smem:$0x3FBA]  }
0x3d: {  	_ =	shalt  }
0x3e: {  	_ =	shalt  }
0x3f: {  	_ =	shalt  }
0x40: {  	_ =	shalt  }
0x41: {  	_ =	shalt  }
0x42: {  	_ =	shalt  }
0x43: {  	_ =	shalt  }
0x44: {  	_ =	shalt  }
0x45: {  	_ =	shalt  }
0x46: {  	_ =	shalt  }
0x47: {  	_ =	shalt  }
0x48: {  	_ =	shalt  }
0x49: {  	_ =	shalt  }
0x4a: {  	_ =	shalt  }
0x4b: {  	_ =	shalt  }
0x4c: {  	_ =	shalt  }
0x4d: {  	_ =	shalt  }
0x4e: {  	_ =	shalt  }
0x4f: {  	_ =	shalt  }
0x50: {  	_ =	shalt  }
0x51: {  	_ =	shalt  }
0x52: {  	_ =	shalt  }
0x53: {  	_ =	shalt  }
0x54: {  	_ =	shalt  }
0x55: {  	_ =	shalt  }
0x56: {  	_ =	shalt  }
0x57: {  	_ =	shalt  }
0x58: {  	_ =	shalt  }
0x59: {  	_ =	shalt  }
0x5a: {  	_ =	shalt  }
0x5b: {  	_ =	shalt  }
0x5c: {  	_ =	shalt  }
0x5d: {  	_ =	shalt  }
0x5e: {  	_ =	shalt  }
0x5f: {  	_ =	shalt  }
0x60: {  	_ =	shalt  }
0x61: {  	_ =	shalt  }
0x62: {  	_ =	shalt  }
0x63: {  	_ =	shalt  }
0x64: {  	_ =	shalt  }
0x65: {  	_ =	shalt  }
0x66: {  	_ =	shalt  }
0x67: {  	_ =	shalt  }
0x68: {  	_ =	shalt  }
0x69: {  	_ =	shalt  }
0x6a: {  	_ =	shalt  }
0x6b: {  	_ =	shalt  }
0x6c: {  	_ =	shalt  }
0x6d: {  	_ =	shalt  }
0x6e: {  	_ =	shalt  }
0x6f: {  	_ =	shalt  }
0x70: {  	_ =	shalt  }
0x71: {  	_ =	shalt  }
0x72: {  	_ =	shalt  }
0x73: {  	_ =	shalt  }
0x74: {  	_ =	shalt  }
0x75: {  	_ =	shalt  }
0x76: {  	_ =	shalt  }
0x77: {  	_ =	shalt  }
0x78: {  	_ =	shalt  }
0x79: {  	_ =	shalt  }
0x7a: {  	_ =	shalt  }
0x7b: {  	_ =	shalt  }
0x7c: {  	_ =	shalt  }
0x7d: {  	_ =	shalt  }
0x7e: {  	_ =	shalt  }
0x7f: {  	_ =	shalt  }
0x80: {  	_ =	shalt  }
0x81: {  	_ =	shalt  }
0x82: {  	_ =	shalt  }
0x83: {  	_ =	shalt  }
0x84: {  	_ =	shalt  }
0x85: {  	_ =	shalt  }
0x86: {  	_ =	shalt  }
0x87: {  	_ =	shalt  }
.Lfunc_end0:
.L_simem_size_0:
called_computation_lowered:
.L_overlay_start_0:
0x88: {  	s2 =	sld [smem:$0x3FD9]  }
0x89: {  	s3 =	sld [smem:$0x3FFE];
	_ =	sdelay $0x1  }
0x8a: {  	s1 =	srdreg.scid  }
0x8b: {  	s0 =	sand.u32 $0x1, s1  }
0x8c: {  	s17 =	sshll.u32 s0, $0xA;
	s2 =	sadd.s32 s3, s2  }
0x8d: {  	s2 =	sadd.s32 s2, s17  }
0x8e: {  	[smem:$0x3FC6] =	sst s2  }
0x8f: {  	_ = 	snop  }
0x90: {  	s2 =	sld [smem:$0x3FC9]  }
0x91: {  	s18 =	sld [smem:$0x3FD0];
	(tm) =	ssettm $0x1  }
0x92: {  	s4 =	sld [smem:$0x3FFB];
	_ =	sdelay $0x3  }
0x93: {  	_ =	strace s4  }
0x94: {  	s4 =	sld [smem:$0x3FFC];
	_ =	sdelay $0x3  }
0x95: {  	_ =	strace s4  }
0x96: {  	s4 =	sld [smem:$0x3FFD];
	_ =	sdelay $0x3  }
0x97: {  	_ =	strace s4  }
0x98: {  	_ =	strace $0x8FFFFFFF  }
0x99: {  	s19 =	sld [smem:$0x3FDB];
	_ =	sdelay $0x1  }
0x9a: {  	s5 =	simm.s32 $_scs_section_size  }
0x9b: {  	s6 =	simm.s32 $_size__tile_overlayer_lowered;
	s7 =	simm.s32 $_tile_overlayer_lowered  }
0x9c: {  	s22 =	simm.s32 $0x1BFF;
	s21 =	sshll.u32 s7, $0x1;
	s4 =	sadd.s32 s5, s19  }
0x9d: {  	s8 =	simm.s32 $0x0;
	s20 =	sshll.u32 s6, $0x1;
	s6 =	sadd.s32 s21, s4  }
0x9e: {  	[timem:s8], [sflag:s22] =	dma.local [hbm:s6], s20  }
0x9f: {  	_ =	swait.ge [sflag:s22], s20  }
0xa0: {  	s5 =	ssub.s32 $0x0, s20;
	[sflag:s22] =	ssyncset.done $0x0  }
0xa1: {  	[sflag:s22] =	ssyncadd.s32 s5;
	_ =	sdelay $0x1  }
0xa2: {  	s23 =	simm.s32 $0x1B8B  }
0xa3: {  	_ =	swait.ge [sflag:s23], $0x1  }
0xa4: {  	[sflag:s23] =	ssyncset.done $0x0  }
0xa5: {  	s25 =	simm.s32 $0x1B8E;
	s24 =	sld [smem:$0x3FFE];
	[sflag:s23] =	ssyncadd.s32 $0xFFFFFFFF  }
0xa6: {  	s26 =	simm.s32 $execute0_lowered;
	[smem:$0x3FD2] =	sst s25  }
0xa7: {  	s6 =	sshll.u32 s26, $0x1;
	_ =	strace $0x80000046;
	[dreg:$0x1] =	wrdreg $0xFFFFFFFF  }
0xa8: {  	s28 =	simm.s32 $_size_execute0_lowered;
	s4 =	sadd.s32 s4, s6;
	[dreg:$0x0] =	wrdreg $0x0  }
0xa9: {  	s6 =	sshll.u32 s28, $0x1;
	[dreg:$0x2] =	wrdreg s4  }
0xaa: {  	[dreg:$0x3] =	wrdreg s6  }
0xab: {  	[dreg:$0x4] =	wrdreg $0xC0  }
0xac: {  	_ =	task [dreg:s8], $0x5FFFF  }
0xad: {  	[dreg:$0x1] =	wrdreg $0xFFFFFFFF  }
0xae: {  	[dreg:$0x0] =	wrdreg $0x60  }
0xaf: {  	[dreg:$0x2] =	wrdreg s2  }
0xb0: {  	[dreg:$0x3] =	wrdreg s24  }
0xb1: {  	[dreg:$0x4] =	wrdreg s18  }
0xb2: {  	[dreg:$0x5] =	wrdreg $0x9  }
0xb3: {  	_ =	task.clear_ibuf [dreg:s8], $0x6FFFF;
	_ =	strace $0x90000046  }
0xb4: {  	s29 =	simm.s32 $0x9;
	_ =	strace $0x80000048  }
0xb5: {  	_ =	swait.ge [sflag:s29], $0x1  }
0xb6: {  	[sflag:s29] =	ssyncadd.s32 $0xFFFFFFFF  }
0xb7: {  	_ =	strace $0x90000048  }
0xb8: {  	_ =	sfence  }
0xb9: {  	s30 =	sld [smem:$0x0];
	_ =	sdelay $0x2  }
0xba: {  	s31 =	sshll.u32 s1, $0xD;
	s1 =	sshrl.u32 s1, $0x2  }
0xbb: {  	s3 =	sand.u32 $0x4000, s31;
	s1 =	sadd.s32 s1, s30  }
0xbc: {  	s0 =	sor.u32 s3, s0;
	s1 =	sshll.u32 s1, $0x11  }
0xbd: {  	s0 =	sor.u32 s1, s0  }
0xbe: {  	s0 =	sadd.s32 $0x8F2B, s0  }
0xbf: {  	[sflag:s0] =	ssyncadd.remote.s32 $0x1  }
0xc0: {  	_ =	sfence.sel $0xFFFF  }
0xc1: {  	[dreg:$0x0] =	wrdreg $0xFFFFFFFF;
	(pc) =	sbr.abs _section_cstart, $3  }
0xc2: {  	[dreg:$0x1] =	wrdreg $0xFFFFFFFF  }
0xc3: {  	_ =	task.clear_ibuf [dreg:s8], $0x2FFFF;
	_ =	strace $0x9FFFFFFF  }
0xc4: {  	(tm) =	ssettm $0x7FFFFFFF  }
0xc5: {  	_ =	shalt  }
tec
execute0_lowered:
.L_overlay_start_1:
0x0: {  	(tag) =	ssettag $0x1  }
0x1: {  	s0 =	rddreg [dreg:$0x0]  }
0x2: {  	s3 =	rddreg [dreg:$0x1]  }
0x3: {  	s6 =	rddreg [dreg:$0x2];
	s2 =	simm.s32 $0x0  }
0x4: {  	s1 =	srdreg.scid;
	s10 =	simm.s32 $0x8400;
	s11 =	simm.s32 $0x100  }
0x5: {  	s12 =	simm.s32 $0xA400;
	s13 =	simm.s32 $0x1;
	s14 =	simm.s32 $0xC400  }
0x6: {  	s15 =	simm.s32 $0xE400;
	s16 =	simm.s32 $0x2;
	s17 =	simm.s32 $0x0  }
0x7: {  	[smem:$0x7FF] =	sst s2;
	s4 =	sand.u32 $0x1, s1;
	s1 =	stileid.u32  }
0x8: {  	s3 =	sadd.s32 $0xF42800, s3;
	s5 =	sshll.u32 s4, $0x4;
	s7 =	smul.u32 $0x64000, s4  }
0x9: {  	s4 =	ssub.s32 $0x2, s4;
	s8 =	smul.u32 $0x6400, s1;
	s5 =	sor.u32 s1, s5  }
0xa: {  	v0 =	vlaneseq.u32;
	_ =	strace $0x80000047;
	s9 =	sshrl.u32 s4, $0x1;
	s5 =	smul.u32 $0xC80, s5  }
0xb: {  	v0 =	vmul.u32 $0x408, v0;
	s9 =	ssub.s32 s4, s9;
	s7 =	sadd.s32 s8, s7;
	s8 =	simm.s32 $0x80  }
0xc: {  	s31 =	sshrl.u32 s7, $0x3;
	s7 =	simm.s32 $0x3;
	s4 =	sadd.s32 s0, s5  }
0xd: {  	v1 =	vadd.s32 $0x4080, v0;
	v2 =	vadd.s32 $0x8100, v0;
	v3 =	vadd.s32 $0xC180, v0;
	s5 =	smax.u32 s9, $0x1;
	s6 =	sadd.s32 s31, s6;
	s9 =	simm.s32 $0x6400  }
.LBB2_1:
0xe: {  	[tilespmem:s2], [sflag:$0x3] =	stream.linear.gather [hbm4b:s4+s2], $0x6400, $0x38;
	[tilespmem:$0x1E600] =	vst v63  }
0xf: {  	_ =	swait.ge [sflag:s7], $0x6400  }
0x10: {  	[sflag:s7] =	ssyncset.done $0x0  }
0x11: {  	[sflag:s7] =	ssyncadd.s32 $0xFFFF9C00  }
0x12: {  	[tilespmem:s9], [sflag:$0x1] =	stream.indirect.gather [hbm4b:s3+s8], $0x40, s2, s8, $0xb8;
	[tilespmem:$0x1E600] =	vst v63  }
0x13: {  	_ = 	snop  }
0x14: {  	[tilespmem:s10], [sflag:$0x1] =	stream.indirect.gather [hbm4b:s3+s8], $0x40, s8, s8, $0xb8;
	[tilespmem:$0x1E600] =	vst v63  }
0x15: {  	s18 =	smov.u32 s6;
	s19 =	simm.s32 $0x0  }
0x16: {  	[tilespmem:s12], [sflag:$0x1] =	stream.indirect.gather [hbm4b:s3+s8], $0x40, s11, s8, $0xb8;
	[tilespmem:$0x1E600] =	vst v63  }
.LBB2_3:
0x17: {  	p0 =	seq.s32 s19, $0x0  }
.Ltmp0:
0x18: {  	_ = 	snop;
	(pc) =	sbr.rel @p0 .LBB2_7-.Ltmp0, $2  }
0x19: {  	_ =	sdelay $0x2  }
0x1a: {  	s0 =	simm.s32 $0x40  }
0x1b: {  	_ =	swait.ge [sflag:s16], $0x400  }
0x1c: {  	s0 =	sadd.s32 $0xFFFFFFFF, s0;
	[sflag:s16] =	ssyncset.done $0x0  }
.LBB2_5:
0x1d: {  	p0 =	sne.s32 s0, $0x1;
	s0 =	sadd.s32 $0xFFFFFFFF, s0;
	[sflag:s16] =	ssyncadd.s32 $0xFFFFFC00  }
.Ltmp1:
0x1e: {  	(pc) =	sbr.rel @p0 .LBB2_5-.Ltmp1, $3  }
0x1f: {  	_ =	sdelay $0x1  }
0x20: {  	_ =	swait.ge [sflag:s16], $0x400  }
0x21: {  	[sflag:s16] =	ssyncset.done $0x0  }
0x22: {  	[sflag:s16] =	ssyncadd.s32 $0xFFFFFC00  }
.LBB2_7:
0x23: {  	_ =	swait.ge [sflag:s13], $0x2000;
	s0 =	sshll.u32 s19, $0xA  }
0x24: {  	s22 =	simm.s32 $0x6500;
	[sflag:s13] =	ssyncset.done $0x0;
	s20 =	sand.u32 $0x3FFFFC00, s0  }
0x25: {  	s29 =	simm.s32 $0x7;
	[sflag:s13] =	ssyncadd.s32 $0xFFFFE000;
	s0 =	sor.u32 $0x180, s20  }
0x26: {  	[tilespmem:s14], [sflag:$0x1] =	stream.indirect.gather [hbm4b:s3+s8], $0x40, s0, s8, $0xb8;
	[tilespmem:$0x1E600] =	vst v63  }
0x27: {  	s23 =	simm.s32 $0x1;
	v5 =	vadd.s32 s29, v0;
	v4 =	vld [tilespmem:s22+$0xC0]  }
0x28: {  	s26 =	simm.s32 $0x2;
	v7 =	vadd.s32 s23, v0;
	v6 =	vld [tilespmem:s22+$0xFFFFFF40]  }
0x29: {  	s21 =	simm.s32 $0x3;
	v9 =	vadd.s32 s26, v0;
	v8 =	vld [tilespmem:s22+$0xFFFFFF80]  }
0x2a: {  	s31 =	simm.s32 $0x4;
	v11 =	vadd.s32 s21, v0;
	v10 =	vld [tilespmem:s22+$0xFFFFFFC0]  }
0x2b: {  	s24 =	simm.s32 $0x5;
	v13 =	vadd.s32 s31, v0;
	v12 =	vld [tilespmem:s22+$0x0]  }
0x2c: {  	s28 =	simm.s32 $0x6;
	v15 =	vadd.s32 s24, v0;
	v14 =	vld [tilespmem:s22+$0x40];
	[tilespmem:v5+s15+$0x0] =	vst.idx.msk $0xffff, v4  }
0x2d: {  	[tilespmem:v7+s15+$0x0] =	vst.idx.msk $0xffff, v6;
	v6 =	vld [tilespmem:s22+$0x80];
	v7 =	vadd.s32 s28, v0  }
0x2e: {  	s25 =	simm.s32 $0x0;
	v5 =	vadd.s32 s29, v1;
	[tilespmem:v9+s15+$0x0] =	vst.idx.msk $0xffff, v8;
	v4 =	vld [tilespmem:s22+$0xD0]  }
0x2f: {  	v8 =	vld [tilespmem:s22+$0xFFFFFF00];
	v9 =	vadd.s32 s25, v0;
	[tilespmem:v11+s15+$0x0] =	vst.idx.msk $0xffff, v10  }
0x30: {  	v11 =	vadd.s32 s23, v1;
	[tilespmem:v13+s15+$0x0] =	vst.idx.msk $0xffff, v12;
	v10 =	vld [tilespmem:s22+$0xFFFFFF50]  }
0x31: {  	v13 =	vadd.s32 s26, v1;
	[tilespmem:v15+s15+$0x0] =	vst.idx.msk $0xffff, v14;
	v12 =	vld [tilespmem:s22+$0xFFFFFF90]  }
0x32: {  	v15 =	vadd.s32 s21, v1;
	v14 =	vld [tilespmem:s22+$0xFFFFFFD0];
	[tilespmem:v7+s15+$0x0] =	vst.idx.msk $0xffff, v6  }
0x33: {  	v6 =	vld [tilespmem:s22+$0x10];
	v7 =	vadd.s32 s31, v1;
	[tilespmem:v5+s15+$0x0] =	vst.idx.msk $0xffff, v4  }
0x34: {  	[tilespmem:v9+s15+$0x0] =	vst.idx.msk $0xffff, v8;
	v5 =	vadd.s32 s29, v2;
	v4 =	vld [tilespmem:s22+$0xE0]  }
0x35: {  	v8 =	vld [tilespmem:s22+$0x50];
	v9 =	vadd.s32 s24, v1;
	[tilespmem:v11+s15+$0x0] =	vst.idx.msk $0xffff, v10  }
0x36: {  	[tilespmem:v13+s15+$0x0] =	vst.idx.msk $0xffff, v12;
	v10 =	vld [tilespmem:s22+$0x90];
	v11 =	vadd.s32 s28, v1  }
0x37: {  	v12 =	vld [tilespmem:s22+$0xFFFFFF10];
	v13 =	vadd.s32 s25, v1;
	[tilespmem:v15+s15+$0x0] =	vst.idx.msk $0xffff, v14  }
0x38: {  	v15 =	vadd.s32 s23, v2;
	v14 =	vld [tilespmem:s22+$0xFFFFFF60];
	[tilespmem:v7+s15+$0x0] =	vst.idx.msk $0xffff, v6  }
0x39: {  	v6 =	vld [tilespmem:s22+$0xFFFFFFA0];
	v7 =	vadd.s32 s26, v2;
	[tilespmem:v5+s15+$0x0] =	vst.idx.msk $0xffff, v4  }
0x3a: {  	[tilespmem:v9+s15+$0x0] =	vst.idx.msk $0xffff, v8;
	v5 =	vadd.s32 s29, v3;
	v4 =	vld [tilespmem:s22+$0xF0]  }
0x3b: {  	v8 =	vld [tilespmem:s22+$0xFFFFFFE0];
	v9 =	vadd.s32 s21, v2;
	[tilespmem:v11+s15+$0x0] =	vst.idx.msk $0xffff, v10  }
0x3c: {  	[tilespmem:v13+s15+$0x0] =	vst.idx.msk $0xffff, v12;
	v10 =	vld [tilespmem:s22+$0x20];
	v11 =	vadd.s32 s31, v2  }
0x3d: {  	v12 =	vld [tilespmem:s22+$0x60];
	v13 =	vadd.s32 s24, v2;
	[tilespmem:v15+s15+$0x0] =	vst.idx.msk $0xffff, v14  }
0x3e: {  	v14 =	vld [tilespmem:s22+$0xA0];
	v15 =	vadd.s32 s28, v2;
	[tilespmem:v7+s15+$0x0] =	vst.idx.msk $0xffff, v6  }
0x3f: {  	[tilespmem:v5+s15+$0x0] =	vst.idx.msk $0xffff, v4;
	v4 =	vld [tilespmem:s22+$0xFFFFFF20];
	v5 =	vadd.s32 s25, v2  }
0x40: {  	v16 =	vadd.s32 s23, v3;
	v6 =	vld [tilespmem:s22+$0xFFFFFF70];
	[tilespmem:v9+s15+$0x0] =	vst.idx.msk $0xffff, v8  }
0x41: {  	v18 =	vadd.s32 s26, v3;
	v17 =	vld [tilespmem:s22+$0xFFFFFFB0];
	[tilespmem:v11+s15+$0x0] =	vst.idx.msk $0xffff, v10  }
0x42: {  	v11 =	vld [tilespmem:s22+$0xFFFFFFF0];
	[tilespmem:v13+s15+$0x0] =	vst.idx.msk $0xffff, v12;
	v13 =	vadd.s32 s21, v3  }
0x43: {  	v12 =	vadd.s32 s31, v3;
	v7 =	vld [tilespmem:s22+$0x30];
	[tilespmem:v15+s15+$0x0] =	vst.idx.msk $0xffff, v14  }
0x44: {  	v10 =	vadd.s32 s24, v3;
	[tilespmem:v5+s15+$0x0] =	vst.idx.msk $0xffff, v4;
	v4 =	vld [tilespmem:s22+$0x70]  }
0x45: {  	s23 =	simm.s32 $0xF;
	v8 =	vadd.s32 s28, v3;
	[tilespmem:v16+s15+$0x0] =	vst.idx.msk $0xffff, v6;
	v5 =	vld [tilespmem:s22+$0xB0]  }
0x46: {  	v9 =	vadd.s32 s25, v3;
	s21 =	simm.s32 $0x8;
	s24 =	simm.s32 $0x10;
	[tilespmem:v18+s15+$0x0] =	vst.idx.msk $0xffff, v17;
	v6 =	vld [tilespmem:s22+$0xFFFFFF30];
	s22 =	simm.s32 $0x6700  }
.LBB2_8:
0x47: {  	p0 =	slt.u32 s24, $0x78;
	s26 =	sadd.s32 $0x1, s21;
	v14 =	vld [tilespmem:s22+$0xC0];
	v15 =	vadd.s32 s23, v0;
	[tilespmem:v13+s15+$0x0] =	vst.idx.msk $0xffff, v11;
	s25 =	smov.u32 s21  }
0x48: {  	s21 =	smov.u32 s24;
	v11 =	vld [tilespmem:s22+$0xFFFFFF40];
	v13 =	vadd.s32 s26, v0;
	s28 =	sadd.s32 $0x2, s25;
	[tilespmem:v12+s15+$0x0] =	vst.idx.msk $0xffff, v7  }
0x49: {  	s29 =	sadd.s32 $0x3, s25;
	v7 =	vld [tilespmem:s22+$0xFFFFFF80];
	v12 =	vadd.s32 s28, v0;
	[tilespmem:v10+s15+$0x0] =	vst.idx.msk $0xffff, v4  }
0x4a: {  	s30 =	sadd.s32 $0x4, s25;
	v10 =	vadd.s32 s29, v0;
	v4 =	vld [tilespmem:s22+$0xFFFFFFC0];
	[tilespmem:v8+s15+$0x0] =	vst.idx.msk $0xffff, v5  }
0x4b: {  	s31 =	sadd.s32 $0x5, s25;
	v8 =	vadd.s32 s30, v0;
	v5 =	vld [tilespmem:s22+$0x0];
	[tilespmem:v9+s15+$0x0] =	vst.idx.msk $0xffff, v6  }
0x4c: {  	v9 =	vadd.s32 s31, v0;
	v6 =	vld [tilespmem:s22+$0x40];
	[tilespmem:v15+s15+$0x0] =	vst.idx.msk $0xffff, v14  }
0x4d: {  	s0 =	sadd.s32 $0x6, s25;
	[tilespmem:v13+s15+$0x0] =	vst.idx.msk $0xffff, v11;
	v11 =	vld [tilespmem:s22+$0xD0];
	v13 =	vadd.s32 s23, v1  }
0x4e: {  	[tilespmem:v12+s15+$0x0] =	vst.idx.msk $0xffff, v7;
	v7 =	vld [tilespmem:s22+$0x80];
	v12 =	vadd.s32 s0, v0  }
0x4f: {  	v15 =	vadd.s32 s25, v0;
	v14 =	vld [tilespmem:s22+$0xFFFFFF00];
	[tilespmem:v10+s15+$0x0] =	vst.idx.msk $0xffff, v4  }
0x50: {  	v10 =	vadd.s32 s26, v1;
	v4 =	vld [tilespmem:s22+$0xFFFFFF50];
	[tilespmem:v8+s15+$0x0] =	vst.idx.msk $0xffff, v5  }
0x51: {  	v8 =	vadd.s32 s28, v1;
	v5 =	vld [tilespmem:s22+$0xFFFFFF90];
	[tilespmem:v9+s15+$0x0] =	vst.idx.msk $0xffff, v6  }
0x52: {  	v9 =	vadd.s32 s29, v1;
	v6 =	vld [tilespmem:s22+$0xFFFFFFD0];
	[tilespmem:v13+s15+$0x0] =	vst.idx.msk $0xffff, v11  }
0x53: {  	v11 =	vadd.s32 s23, v2;
	[tilespmem:v12+s15+$0x0] =	vst.idx.msk $0xffff, v7;
	v7 =	vld [tilespmem:s22+$0xE0]  }
0x54: {  	v13 =	vadd.s32 s30, v1;
	[tilespmem:v15+s15+$0x0] =	vst.idx.msk $0xffff, v14;
	v12 =	vld [tilespmem:s22+$0x10]  }
0x55: {  	[tilespmem:v10+s15+$0x0] =	vst.idx.msk $0xffff, v4;
	v4 =	vld [tilespmem:s22+$0x50];
	v10 =	vadd.s32 s31, v1  }
0x56: {  	[tilespmem:v8+s15+$0x0] =	vst.idx.msk $0xffff, v5;
	v5 =	vld [tilespmem:s22+$0x90];
	v8 =	vadd.s32 s0, v1  }
0x57: {  	v15 =	vadd.s32 s25, v1;
	v14 =	vld [tilespmem:s22+$0xFFFFFF10];
	[tilespmem:v9+s15+$0x0] =	vst.idx.msk $0xffff, v6  }
0x58: {  	v9 =	vadd.s32 s26, v2;
	v6 =	vld [tilespmem:s22+$0xFFFFFF60];
	[tilespmem:v11+s15+$0x0] =	vst.idx.msk $0xffff, v7  }
0x59: {  	v11 =	vadd.s32 s23, v3;
	[tilespmem:v13+s15+$0x0] =	vst.idx.msk $0xffff, v12;
	v7 =	vld [tilespmem:s22+$0xF0]  }
0x5a: {  	v13 =	vadd.s32 s28, v2;
	v12 =	vld [tilespmem:s22+$0xFFFFFFA0];
	[tilespmem:v10+s15+$0x0] =	vst.idx.msk $0xffff, v4  }
0x5b: {  	v10 =	vadd.s32 s29, v2;
	v4 =	vld [tilespmem:s22+$0xFFFFFFE0];
	[tilespmem:v8+s15+$0x0] =	vst.idx.msk $0xffff, v5  }
0x5c: {  	v8 =	vadd.s32 s30, v2;
	[tilespmem:v15+s15+$0x0] =	vst.idx.msk $0xffff, v14;
	v5 =	vld [tilespmem:s22+$0x20]  }
0x5d: {  	[tilespmem:v9+s15+$0x0] =	vst.idx.msk $0xffff, v6;
	v6 =	vld [tilespmem:s22+$0x60];
	v9 =	vadd.s32 s31, v2  }
0x5e: {  	v15 =	vadd.s32 s0, v2;
	v14 =	vld [tilespmem:s22+$0xA0];
	[tilespmem:v11+s15+$0x0] =	vst.idx.msk $0xffff, v7  }
0x5f: {  	v17 =	vadd.s32 s25, v2;
	v16 =	vld [tilespmem:s22+$0xFFFFFF20];
	[tilespmem:v13+s15+$0x0] =	vst.idx.msk $0xffff, v12  }
0x60: {  	v19 =	vadd.s32 s26, v3;
	v18 =	vld [tilespmem:s22+$0xFFFFFF70];
	[tilespmem:v10+s15+$0x0] =	vst.idx.msk $0xffff, v4  }
0x61: {  	v21 =	vadd.s32 s28, v3;
	v20 =	vld [tilespmem:s22+$0xFFFFFFB0];
	[tilespmem:v8+s15+$0x0] =	vst.idx.msk $0xffff, v5  }
.Ltmp2:
0x62: {  	v13 =	vadd.s32 s29, v3;
	v11 =	vld [tilespmem:s22+$0xFFFFFFF0];
	[tilespmem:v9+s15+$0x0] =	vst.idx.msk $0xffff, v6;
	(pc) =	sbr.rel @p0 .LBB2_8-.Ltmp2, $4  }
0x63: {  	v12 =	vadd.s32 s30, v3;
	v7 =	vld [tilespmem:s22+$0x30];
	[tilespmem:v15+s15+$0x0] =	vst.idx.msk $0xffff, v14  }
0x64: {  	v10 =	vadd.s32 s31, v3;
	[tilespmem:v17+s15+$0x0] =	vst.idx.msk $0xffff, v16;
	v4 =	vld [tilespmem:s22+$0x70]  }
0x65: {  	v8 =	vadd.s32 s0, v3;
	[tilespmem:v19+s15+$0x0] =	vst.idx.msk $0xffff, v18;
	v5 =	vld [tilespmem:s22+$0xB0]  }
0x66: {  	s24 =	sadd.s32 $0x8, s24;
	s23 =	sadd.s32 $0x7, s21;
	v9 =	vadd.s32 s25, v3;
	v6 =	vld [tilespmem:s22+$0xFFFFFF30];
	[tilespmem:v21+s15+$0x0] =	vst.idx.msk $0xffff, v20;
	s22 =	sadd.s32 $0x200, s22  }
0x67: {  	_ =	sdelay $0x3  }
0x68: {  	s0 =	sadd.s32 $0x1, s21;
	v14 =	vld [tilespmem:s22+$0xC0];
	v15 =	vadd.s32 s23, v0;
	[tilespmem:v13+s15+$0x0] =	vst.idx.msk $0xffff, v11  }
0x69: {  	v11 =	vld [tilespmem:s22+$0xFFFFFF40];
	s24 =	sadd.s32 $0x2, s21;
	v13 =	vadd.s32 s0, v0;
	[tilespmem:v12+s15+$0x0] =	vst.idx.msk $0xffff, v7  }
0x6a: {  	s25 =	sadd.s32 $0x3, s21;
	v7 =	vld [tilespmem:s22+$0xFFFFFF80];
	v12 =	vadd.s32 s24, v0;
	[tilespmem:v10+s15+$0x0] =	vst.idx.msk $0xffff, v4  }
0x6b: {  	s26 =	sadd.s32 $0x4, s21;
	v4 =	vld [tilespmem:s22+$0xFFFFFFC0];
	v10 =	vadd.s32 s25, v0;
	[tilespmem:v8+s15+$0x0] =	vst.idx.msk $0xffff, v5  }
0x6c: {  	s28 =	sadd.s32 $0x5, s21;
	v5 =	vld [tilespmem:s22+$0x0];
	v8 =	vadd.s32 s26, v0;
	[tilespmem:v9+s15+$0x0] =	vst.idx.msk $0xffff, v6  }
0x6d: {  	v6 =	vld [tilespmem:s22+$0x40];
	v9 =	vadd.s32 s28, v0;
	[tilespmem:v15+s15+$0x0] =	vst.idx.msk $0xffff, v14  }
0x6e: {  	s29 =	sadd.s32 $0x6, s21;
	[tilespmem:v13+s15+$0x0] =	vst.idx.msk $0xffff, v11;
	v11 =	vld [tilespmem:s22+$0xD0];
	v13 =	vadd.s32 s23, v1  }
0x6f: {  	[tilespmem:v12+s15+$0x0] =	vst.idx.msk $0xffff, v7;
	v7 =	vld [tilespmem:s22+$0x80];
	v12 =	vadd.s32 s29, v0  }
0x70: {  	v14 =	vld [tilespmem:s22+$0xFFFFFF00];
	v15 =	vadd.s32 s21, v0;
	[tilespmem:v10+s15+$0x0] =	vst.idx.msk $0xffff, v4  }
0x71: {  	v4 =	vld [tilespmem:s22+$0xFFFFFF50];
	v10 =	vadd.s32 s0, v1;
	[tilespmem:v8+s15+$0x0] =	vst.idx.msk $0xffff, v5  }
0x72: {  	v5 =	vld [tilespmem:s22+$0xFFFFFF90];
	v8 =	vadd.s32 s24, v1;
	[tilespmem:v9+s15+$0x0] =	vst.idx.msk $0xffff, v6  }
0x73: {  	v6 =	vld [tilespmem:s22+$0xFFFFFFD0];
	v9 =	vadd.s32 s25, v1;
	[tilespmem:v13+s15+$0x0] =	vst.idx.msk $0xffff, v11  }
0x74: {  	[tilespmem:v12+s15+$0x0] =	vst.idx.msk $0xffff, v7;
	v12 =	vld [tilespmem:s22+$0x10];
	v13 =	vadd.s32 s26, v1  }
0x75: {  	[tilespmem:v15+s15+$0x0] =	vst.idx.msk $0xffff, v14;
	v11 =	vadd.s32 s23, v2;
	v7 =	vld [tilespmem:s22+$0xE0]  }
0x76: {  	[tilespmem:v10+s15+$0x0] =	vst.idx.msk $0xffff, v4;
	v4 =	vld [tilespmem:s22+$0x50];
	v10 =	vadd.s32 s28, v1  }
0x77: {  	v15 =	vadd.s32 s21, v1;
	v14 =	vld [tilespmem:s22+$0xFFFFFF10];
	[tilespmem:v8+s15+$0x0] =	vst.idx.msk $0xffff, v5  }
0x78: {  	v5 =	vld [tilespmem:s22+$0x90];
	v8 =	vadd.s32 s29, v1;
	[tilespmem:v9+s15+$0x0] =	vst.idx.msk $0xffff, v6  }
0x79: {  	v6 =	vld [tilespmem:s22+$0xFFFFFF60];
	v9 =	vadd.s32 s0, v2;
	[tilespmem:v13+s15+$0x0] =	vst.idx.msk $0xffff, v12  }
0x7a: {  	v12 =	vld [tilespmem:s22+$0xFFFFFFA0];
	v13 =	vadd.s32 s24, v2;
	[tilespmem:v11+s15+$0x0] =	vst.idx.msk $0xffff, v7  }
0x7b: {  	[tilespmem:v10+s15+$0x0] =	vst.idx.msk $0xffff, v4;
	v4 =	vld [tilespmem:s22+$0xFFFFFFE0];
	v10 =	vadd.s32 s25, v2  }
0x7c: {  	[tilespmem:v15+s15+$0x0] =	vst.idx.msk $0xffff, v14;
	v11 =	vadd.s32 s23, v3;
	v7 =	vld [tilespmem:s22+$0xF0]  }
0x7d: {  	[tilespmem:v8+s15+$0x0] =	vst.idx.msk $0xffff, v5;
	v5 =	vld [tilespmem:s22+$0x20];
	v8 =	vadd.s32 s26, v2  }
0x7e: {  	[tilespmem:v9+s15+$0x0] =	vst.idx.msk $0xffff, v6;
	v6 =	vld [tilespmem:s22+$0x60];
	v9 =	vadd.s32 s28, v2  }
0x7f: {  	v15 =	vadd.s32 s29, v2;
	v14 =	vld [tilespmem:s22+$0xA0];
	[tilespmem:v13+s15+$0x0] =	vst.idx.msk $0xffff, v12  }
0x80: {  	v12 =	vld [tilespmem:s22+$0xFFFFFF70];
	v13 =	vadd.s32 s0, v3;
	[tilespmem:v10+s15+$0x0] =	vst.idx.msk $0xffff, v4  }
0x81: {  	[tilespmem:v11+s15+$0x0] =	vst.idx.msk $0xffff, v7;
	v7 =	vld [tilespmem:s22+$0xFFFFFF20];
	v11 =	vadd.s32 s21, v2  }
0x82: {  	v4 =	vld [tilespmem:s22+$0xFFFFFFB0];
	v10 =	vadd.s32 s24, v3;
	[tilespmem:v8+s15+$0x0] =	vst.idx.msk $0xffff, v5  }
0x83: {  	v5 =	vld [tilespmem:s22+$0xFFFFFFF0];
	v8 =	vadd.s32 s25, v3;
	[tilespmem:v9+s15+$0x0] =	vst.idx.msk $0xffff, v6  }
0x84: {  	v6 =	vld [tilespmem:s22+$0x30];
	v9 =	vadd.s32 s26, v3;
	[tilespmem:v15+s15+$0x0] =	vst.idx.msk $0xffff, v14  }
0x85: {  	[tilespmem:v13+s15+$0x0] =	vst.idx.msk $0xffff, v12;
	v12 =	vld [tilespmem:s22+$0xB0];
	v13 =	vadd.s32 s29, v3  }
0x86: {  	[tilespmem:v11+s15+$0x0] =	vst.idx.msk $0xffff, v7;
	v7 =	vld [tilespmem:s22+$0x70];
	v11 =	vadd.s32 s28, v3  }
0x87: {  	v15 =	vadd.s32 s21, v3;
	[tilespmem:v10+s15+$0x0] =	vst.idx.msk $0xffff, v4;
	v14 =	vld [tilespmem:s22+$0xFFFFFF30]  }
0x88: {  	[tilespmem:v8+s15+$0x0] =	vst.idx.msk $0xffff, v5  }
0x89: {  	[tilespmem:v9+s15+$0x0] =	vst.idx.msk $0xffff, v6  }
0x8a: {  	[tilespmem:v13+s15+$0x0] =	vst.idx.msk $0xffff, v12  }
0x8b: {  	[tilespmem:v11+s15+$0x0] =	vst.idx.msk $0xffff, v7  }
0x8c: {  	[tilespmem:v15+s15+$0x0] =	vst.idx.msk $0xffff, v14  }
0x8d: {  	_ =	swait.ge [sflag:s13], $0x2000  }
0x8e: {  	s25 =	sadd.s32 $0x200, s20;
	[sflag:s13] =	ssyncset.done $0x0  }
0x8f: {  	s21 =	simm.s32 $0x8500;
	s26 =	simm.s32 $0x87;
	[sflag:s13] =	ssyncadd.s32 $0xFFFFE000  }
0x90: {  	[tilespmem:s9], [sflag:$0x1] =	stream.indirect.gather [hbm4b:s3+s8], $0x40, s25, s8, $0xb8;
	[tilespmem:$0x1E600] =	vst v63  }
0x91: {  	s0 =	simm.s32 $0x81;
	v5 =	vadd.s32 s26, v0;
	v4 =	vld [tilespmem:s21+$0xC0]  }
0x92: {  	s23 =	simm.s32 $0x82;
	v7 =	vadd.s32 s0, v0;
	v6 =	vld [tilespmem:s21+$0xFFFFFF40]  }
0x93: {  	s24 =	simm.s32 $0x83;
	v9 =	vadd.s32 s23, v0;
	v8 =	vld [tilespmem:s21+$0xFFFFFF80]  }
0x94: {  	v11 =	vadd.s32 s24, v0;
	s25 =	simm.s32 $0x84;
	v10 =	vld [tilespmem:s21+$0xFFFFFFC0]  }
0x95: {  	s30 =	simm.s32 $0x85;
	v12 =	vld [tilespmem:s21+$0x0];
	v13 =	vadd.s32 s25, v0  }
0x96: {  	s22 =	simm.s32 $0x86;
	v15 =	vadd.s32 s30, v0;
	v14 =	vld [tilespmem:s21+$0x40];
	[tilespmem:v5+s15+$0x0] =	vst.idx.msk $0xffff, v4  }
0x97: {  	s31 =	simm.s32 $0x80;
	[tilespmem:v7+s15+$0x0] =	vst.idx.msk $0xffff, v6;
	v6 =	vld [tilespmem:s21+$0x80];
	v7 =	vadd.s32 s22, v0  }
0x98: {  	[tilespmem:v9+s15+$0x0] =	vst.idx.msk $0xffff, v8;
	v8 =	vld [tilespmem:s21+$0xFFFFFF00];
	v9 =	vadd.s32 s31, v0  }
0x99: {  	v5 =	vadd.s32 s26, v1;
	[tilespmem:v11+s15+$0x0] =	vst.idx.msk $0xffff, v10;
	v4 =	vld [tilespmem:s21+$0xD0]  }
0x9a: {  	v11 =	vadd.s32 s0, v1;
	[tilespmem:v13+s15+$0x0] =	vst.idx.msk $0xffff, v12;
	v10 =	vld [tilespmem:s21+$0xFFFFFF50]  }
0x9b: {  	v13 =	vadd.s32 s23, v1;
	[tilespmem:v15+s15+$0x0] =	vst.idx.msk $0xffff, v14;
	v12 =	vld [tilespmem:s21+$0xFFFFFF90]  }
0x9c: {  	v15 =	vadd.s32 s24, v1;
	v14 =	vld [tilespmem:s21+$0xFFFFFFD0];
	[tilespmem:v7+s15+$0x0] =	vst.idx.msk $0xffff, v6  }
0x9d: {  	[tilespmem:v9+s15+$0x0] =	vst.idx.msk $0xffff, v8;
	v6 =	vld [tilespmem:s21+$0x10];
	v7 =	vadd.s32 s25, v1  }
0x9e: {  	v9 =	vadd.s32 s31, v1;
	[tilespmem:v5+s15+$0x0] =	vst.idx.msk $0xffff, v4;
	v8 =	vld [tilespmem:s21+$0xFFFFFF10]  }
0x9f: {  	[tilespmem:v11+s15+$0x0] =	vst.idx.msk $0xffff, v10;
	v10 =	vld [tilespmem:s21+$0x50];
	v11 =	vadd.s32 s30, v1  }
0xa0: {  	[tilespmem:v13+s15+$0x0] =	vst.idx.msk $0xffff, v12;
	v12 =	vld [tilespmem:s21+$0x90];
	v13 =	vadd.s32 s22, v1  }
0xa1: {  	v5 =	vadd.s32 s26, v2;
	[tilespmem:v15+s15+$0x0] =	vst.idx.msk $0xffff, v14;
	v4 =	vld [tilespmem:s21+$0xE0]  }
0xa2: {  	v15 =	vadd.s32 s0, v2;
	v14 =	vld [tilespmem:s21+$0xFFFFFF60];
	[tilespmem:v7+s15+$0x0] =	vst.idx.msk $0xffff, v6  }
0xa3: {  	v6 =	vld [tilespmem:s21+$0xFFFFFFA0];
	v7 =	vadd.s32 s23, v2;
	[tilespmem:v9+s15+$0x0] =	vst.idx.msk $0xffff, v8  }
0xa4: {  	v16 =	vadd.s32 s24, v2;
	[tilespmem:v11+s15+$0x0] =	vst.idx.msk $0xffff, v10;
	v10 =	vld [tilespmem:s21+$0xFFFFFFE0]  }
0xa5: {  	[tilespmem:v13+s15+$0x0] =	vst.idx.msk $0xffff, v12;
	v12 =	vld [tilespmem:s21+$0x20];
	v13 =	vadd.s32 s25, v2  }
0xa6: {  	v9 =	vadd.s32 s31, v2;
	[tilespmem:v5+s15+$0x0] =	vst.idx.msk $0xffff, v4;
	v8 =	vld [tilespmem:s21+$0xFFFFFF20]  }
0xa7: {  	[tilespmem:v15+s15+$0x0] =	vst.idx.msk $0xffff, v14;
	v14 =	vld [tilespmem:s21+$0x60];
	v15 =	vadd.s32 s30, v2  }
0xa8: {  	v5 =	vadd.s32 s26, v3;
	v4 =	vld [tilespmem:s21+$0xF0];
	[tilespmem:v7+s15+$0x0] =	vst.idx.msk $0xffff, v6  }
0xa9: {  	v18 =	vadd.s32 s22, v2;
	v17 =	vld [tilespmem:s21+$0xA0];
	[tilespmem:v16+s15+$0x0] =	vst.idx.msk $0xffff, v10  }
0xaa: {  	v20 =	vadd.s32 s0, v3;
	v19 =	vld [tilespmem:s21+$0xFFFFFF70];
	[tilespmem:v13+s15+$0x0] =	vst.idx.msk $0xffff, v12  }
0xab: {  	[tilespmem:v9+s15+$0x0] =	vst.idx.msk $0xffff, v8;
	v6 =	vld [tilespmem:s21+$0x30]  }
0xac: {  	v13 =	vadd.s32 s31, v3;
	[tilespmem:v15+s15+$0x0] =	vst.idx.msk $0xffff, v14;
	v11 =	vld [tilespmem:s21+$0xFFFFFF30]  }
0xad: {  	v8 =	vadd.s32 s23, v3;
	[tilespmem:v5+s15+$0x0] =	vst.idx.msk $0xffff, v4;
	v4 =	vld [tilespmem:s21+$0xFFFFFFB0]  }
0xae: {  	v7 =	vadd.s32 s24, v3;
	[tilespmem:v18+s15+$0x0] =	vst.idx.msk $0xffff, v17;
	v5 =	vld [tilespmem:s21+$0xFFFFFFF0]  }
0xaf: {  	v12 =	vadd.s32 s30, v3;
	s23 =	simm.s32 $0x0;
	v9 =	vadd.s32 s25, v3;
	[tilespmem:v20+s15+$0x0] =	vst.idx.msk $0xffff, v19;
	v10 =	vld [tilespmem:s21+$0x70]  }
.LBB2_10:
0xb0: {  	s0 =	sadd.s32 $0x8F, s23  }
0xb1: {  	[tilespmem:v13+s15+$0x0] =	vst.idx.msk $0xffff, v11;
	v11 =	vld [tilespmem:s21+$0xB0];
	v13 =	vadd.s32 s22, v3;
	s21 =	sadd.s32 $0x200, s21;
	s30 =	smov.u32 s23;
	s23 =	sadd.s32 $0x8, s23  }
0xb2: {  	s24 =	sadd.s32 $0x89, s30;
	v14 =	vld [tilespmem:s21+$0xC0];
	v15 =	vadd.s32 s0, v0;
	p0 =	slt.u32 s23, $0x78;
	[tilespmem:v8+s15+$0x0] =	vst.idx.msk $0xffff, v4  }
0xb3: {  	s25 =	sadd.s32 $0x8A, s30;
	v4 =	vld [tilespmem:s21+$0xFFFFFF40];
	v8 =	vadd.s32 s24, v0;
	[tilespmem:v7+s15+$0x0] =	vst.idx.msk $0xffff, v5  }
0xb4: {  	s26 =	sadd.s32 $0x8B, s30;
	v7 =	vadd.s32 s25, v0;
	v5 =	vld [tilespmem:s21+$0xFFFFFF80];
	[tilespmem:v9+s15+$0x0] =	vst.idx.msk $0xffff, v6  }
0xb5: {  	s28 =	sadd.s32 $0x8C, s30;
	v9 =	vadd.s32 s26, v0;
	v6 =	vld [tilespmem:s21+$0xFFFFFFC0];
	[tilespmem:v12+s15+$0x0] =	vst.idx.msk $0xffff, v10  }
0xb6: {  	s29 =	sadd.s32 $0x8D, s30;
	v12 =	vadd.s32 s28, v0;
	v10 =	vld [tilespmem:s21+$0x0];
	[tilespmem:v13+s15+$0x0] =	vst.idx.msk $0xffff, v11  }
0xb7: {  	v13 =	vadd.s32 s29, v0;
	v11 =	vld [tilespmem:s21+$0x40];
	[tilespmem:v15+s15+$0x0] =	vst.idx.msk $0xffff, v14  }
0xb8: {  	s22 =	sadd.s32 $0x8E, s30;
	[tilespmem:v8+s15+$0x0] =	vst.idx.msk $0xffff, v4;
	v4 =	vld [tilespmem:s21+$0xD0];
	v8 =	vadd.s32 s0, v1  }
0xb9: {  	s30 =	sadd.s32 $0x88, s30;
	[tilespmem:v7+s15+$0x0] =	vst.idx.msk $0xffff, v5;
	v5 =	vld [tilespmem:s21+$0x80];
	v7 =	vadd.s32 s22, v0  }
0xba: {  	v15 =	vadd.s32 s30, v0;
	v14 =	vld [tilespmem:s21+$0xFFFFFF00];
	[tilespmem:v9+s15+$0x0] =	vst.idx.msk $0xffff, v6  }
0xbb: {  	v9 =	vadd.s32 s24, v1;
	v6 =	vld [tilespmem:s21+$0xFFFFFF50];
	[tilespmem:v12+s15+$0x0] =	vst.idx.msk $0xffff, v10  }
0xbc: {  	v12 =	vadd.s32 s25, v1;
	v10 =	vld [tilespmem:s21+$0xFFFFFF90];
	[tilespmem:v13+s15+$0x0] =	vst.idx.msk $0xffff, v11  }
0xbd: {  	v13 =	vadd.s32 s26, v1;
	v11 =	vld [tilespmem:s21+$0xFFFFFFD0];
	[tilespmem:v8+s15+$0x0] =	vst.idx.msk $0xffff, v4  }
0xbe: {  	[tilespmem:v7+s15+$0x0] =	vst.idx.msk $0xffff, v5;
	v4 =	vld [tilespmem:s21+$0xE0];
	v5 =	vadd.s32 s0, v2  }
0xbf: {  	v8 =	vadd.s32 s28, v1;
	[tilespmem:v15+s15+$0x0] =	vst.idx.msk $0xffff, v14;
	v7 =	vld [tilespmem:s21+$0x10]  }
0xc0: {  	v15 =	vadd.s32 s30, v1;
	v14 =	vld [tilespmem:s21+$0xFFFFFF10];
	[tilespmem:v9+s15+$0x0] =	vst.idx.msk $0xffff, v6  }
0xc1: {  	v9 =	vadd.s32 s29, v1;
	[tilespmem:v12+s15+$0x0] =	vst.idx.msk $0xffff, v10;
	v6 =	vld [tilespmem:s21+$0x50]  }
0xc2: {  	[tilespmem:v13+s15+$0x0] =	vst.idx.msk $0xffff, v11;
	v10 =	vld [tilespmem:s21+$0x90];
	v11 =	vadd.s32 s22, v1  }
0xc3: {  	v13 =	vadd.s32 s24, v2;
	v12 =	vld [tilespmem:s21+$0xFFFFFF60];
	[tilespmem:v5+s15+$0x0] =	vst.idx.msk $0xffff, v4  }
0xc4: {  	v5 =	vadd.s32 s0, v3;
	[tilespmem:v8+s15+$0x0] =	vst.idx.msk $0xffff, v7;
	v4 =	vld [tilespmem:s21+$0xF0]  }
0xc5: {  	v8 =	vadd.s32 s25, v2;
	[tilespmem:v15+s15+$0x0] =	vst.idx.msk $0xffff, v14;
	v7 =	vld [tilespmem:s21+$0xFFFFFFA0]  }
0xc6: {  	v15 =	vadd.s32 s30, v2;
	v14 =	vld [tilespmem:s21+$0xFFFFFF20];
	[tilespmem:v9+s15+$0x0] =	vst.idx.msk $0xffff, v6  }
0xc7: {  	v9 =	vadd.s32 s26, v2;
	v6 =	vld [tilespmem:s21+$0xFFFFFFE0];
	[tilespmem:v11+s15+$0x0] =	vst.idx.msk $0xffff, v10  }
0xc8: {  	[tilespmem:v13+s15+$0x0] =	vst.idx.msk $0xffff, v12;
	v10 =	vld [tilespmem:s21+$0x20];
	v12 =	vadd.s32 s28, v2  }
0xc9: {  	v17 =	vadd.s32 s29, v2;
	v16 =	vld [tilespmem:s21+$0x60];
	[tilespmem:v5+s15+$0x0] =	vst.idx.msk $0xffff, v4  }
0xca: {  	v19 =	vadd.s32 s22, v2;
	[tilespmem:v8+s15+$0x0] =	vst.idx.msk $0xffff, v7;
	v18 =	vld [tilespmem:s21+$0xA0]  }
0xcb: {  	[tilespmem:v15+s15+$0x0] =	vst.idx.msk $0xffff, v14;
	v14 =	vld [tilespmem:s21+$0xFFFFFF70];
	v15 =	vadd.s32 s24, v3  }
.Ltmp3:
0xcc: {  	v13 =	vadd.s32 s30, v3;
	v11 =	vld [tilespmem:s21+$0xFFFFFF30];
	[tilespmem:v9+s15+$0x0] =	vst.idx.msk $0xffff, v6;
	(pc) =	sbr.rel @p0 .LBB2_10-.Ltmp3, $4  }
0xcd: {  	v8 =	vadd.s32 s25, v3;
	v4 =	vld [tilespmem:s21+$0xFFFFFFB0];
	[tilespmem:v12+s15+$0x0] =	vst.idx.msk $0xffff, v10  }
0xce: {  	v7 =	vadd.s32 s26, v3;
	v5 =	vld [tilespmem:s21+$0xFFFFFFF0];
	[tilespmem:v17+s15+$0x0] =	vst.idx.msk $0xffff, v16  }
0xcf: {  	v9 =	vadd.s32 s28, v3;
	v6 =	vld [tilespmem:s21+$0x30];
	[tilespmem:v19+s15+$0x0] =	vst.idx.msk $0xffff, v18  }
0xd0: {  	v12 =	vadd.s32 s29, v3;
	[tilespmem:v15+s15+$0x0] =	vst.idx.msk $0xffff, v14;
	v10 =	vld [tilespmem:s21+$0x70]  }
0xd1: {  	_ =	sdelay $0x3  }
0xd2: {  	[tilespmem:v13+s15+$0x0] =	vst.idx.msk $0xffff, v11;
	v11 =	vld [tilespmem:s21+$0xB0];
	v13 =	vadd.s32 s22, v3  }
0xd3: {  	[tilespmem:v8+s15+$0x0] =	vst.idx.msk $0xffff, v4  }
0xd4: {  	[tilespmem:v7+s15+$0x0] =	vst.idx.msk $0xffff, v5  }
0xd5: {  	[tilespmem:v9+s15+$0x0] =	vst.idx.msk $0xffff, v6  }
0xd6: {  	[tilespmem:v12+s15+$0x0] =	vst.idx.msk $0xffff, v10  }
0xd7: {  	[tilespmem:v13+s15+$0x0] =	vst.idx.msk $0xffff, v11  }
0xd8: {  	_ =	swait.ge [sflag:s13], $0x2000  }
0xd9: {  	s0 =	sadd.s32 $0x280, s20;
	[sflag:s13] =	ssyncset.done $0x0  }
0xda: {  	s21 =	simm.s32 $0xA500;
	s28 =	simm.s32 $0x107;
	[sflag:s13] =	ssyncadd.s32 $0xFFFFE000  }
0xdb: {  	[tilespmem:s10], [sflag:$0x1] =	stream.indirect.gather [hbm4b:s3+s8], $0x40, s0, s8, $0xb8;
	[tilespmem:$0x1E600] =	vst v63  }
0xdc: {  	s26 =	simm.s32 $0x101;
	v5 =	vadd.s32 s28, v0;
	v4 =	vld [tilespmem:s21+$0xC0]  }
0xdd: {  	s31 =	simm.s32 $0x102;
	v7 =	vadd.s32 s26, v0;
	v6 =	vld [tilespmem:s21+$0xFFFFFF40]  }
0xde: {  	s23 =	simm.s32 $0x103;
	v9 =	vadd.s32 s31, v0;
	v8 =	vld [tilespmem:s21+$0xFFFFFF80]  }
0xdf: {  	s24 =	simm.s32 $0x104;
	v11 =	vadd.s32 s23, v0;
	v10 =	vld [tilespmem:s21+$0xFFFFFFC0]  }
0xe0: {  	s25 =	simm.s32 $0x105;
	v13 =	vadd.s32 s24, v0;
	v12 =	vld [tilespmem:s21+$0x0]  }
0xe1: {  	s22 =	simm.s32 $0x106;
	v15 =	vadd.s32 s25, v0;
	v14 =	vld [tilespmem:s21+$0x40];
	[tilespmem:v5+s15+$0x0] =	vst.idx.msk $0xffff, v4  }
0xe2: {  	s29 =	simm.s32 $0x100;
	[tilespmem:v7+s15+$0x0] =	vst.idx.msk $0xffff, v6;
	v6 =	vld [tilespmem:s21+$0x80];
	v7 =	vadd.s32 s22, v0  }
0xe3: {  	[tilespmem:v9+s15+$0x0] =	vst.idx.msk $0xffff, v8;
	v8 =	vld [tilespmem:s21+$0xFFFFFF00];
	v9 =	vadd.s32 s29, v0  }
0xe4: {  	v5 =	vadd.s32 s28, v1;
	[tilespmem:v11+s15+$0x0] =	vst.idx.msk $0xffff, v10;
	v4 =	vld [tilespmem:s21+$0xD0]  }
0xe5: {  	v11 =	vadd.s32 s26, v1;
	[tilespmem:v13+s15+$0x0] =	vst.idx.msk $0xffff, v12;
	v10 =	vld [tilespmem:s21+$0xFFFFFF50]  }
0xe6: {  	v13 =	vadd.s32 s31, v1;
	[tilespmem:v15+s15+$0x0] =	vst.idx.msk $0xffff, v14;
	v12 =	vld [tilespmem:s21+$0xFFFFFF90]  }
0xe7: {  	v15 =	vadd.s32 s23, v1;
	v14 =	vld [tilespmem:s21+$0xFFFFFFD0];
	[tilespmem:v7+s15+$0x0] =	vst.idx.msk $0xffff, v6  }
0xe8: {  	[tilespmem:v9+s15+$0x0] =	vst.idx.msk $0xffff, v8;
	v6 =	vld [tilespmem:s21+$0x10];
	v7 =	vadd.s32 s24, v1  }
0xe9: {  	v9 =	vadd.s32 s29, v1;
	[tilespmem:v5+s15+$0x0] =	vst.idx.msk $0xffff, v4;
	v8 =	vld [tilespmem:s21+$0xFFFFFF10]  }
0xea: {  	[tilespmem:v11+s15+$0x0] =	vst.idx.msk $0xffff, v10;
	v10 =	vld [tilespmem:s21+$0x50];
	v11 =	vadd.s32 s25, v1  }
0xeb: {  	[tilespmem:v13+s15+$0x0] =	vst.idx.msk $0xffff, v12;
	v12 =	vld [tilespmem:s21+$0x90];
	v13 =	vadd.s32 s22, v1  }
0xec: {  	v5 =	vadd.s32 s28, v2;
	[tilespmem:v15+s15+$0x0] =	vst.idx.msk $0xffff, v14;
	v4 =	vld [tilespmem:s21+$0xE0]  }
0xed: {  	v15 =	vadd.s32 s26, v2;
	v14 =	vld [tilespmem:s21+$0xFFFFFF60];
	[tilespmem:v7+s15+$0x0] =	vst.idx.msk $0xffff, v6  }
0xee: {  	v6 =	vld [tilespmem:s21+$0xFFFFFFA0];
	v7 =	vadd.s32 s31, v2;
	[tilespmem:v9+s15+$0x0] =	vst.idx.msk $0xffff, v8  }
0xef: {  	v16 =	vadd.s32 s23, v2;
	[tilespmem:v11+s15+$0x0] =	vst.idx.msk $0xffff, v10;
	v10 =	vld [tilespmem:s21+$0xFFFFFFE0]  }
0xf0: {  	[tilespmem:v13+s15+$0x0] =	vst.idx.msk $0xffff, v12;
	v12 =	vld [tilespmem:s21+$0x20];
	v13 =	vadd.s32 s24, v2  }
0xf1: {  	v9 =	vadd.s32 s29, v2;
	[tilespmem:v5+s15+$0x0] =	vst.idx.msk $0xffff, v4;
	v8 =	vld [tilespmem:s21+$0xFFFFFF20]  }
0xf2: {  	[tilespmem:v15+s15+$0x0] =	vst.idx.msk $0xffff, v14;
	v14 =	vld [tilespmem:s21+$0x60];
	v15 =	vadd.s32 s25, v2  }
0xf3: {  	v5 =	vadd.s32 s28, v3;
	v4 =	vld [tilespmem:s21+$0xF0];
	[tilespmem:v7+s15+$0x0] =	vst.idx.msk $0xffff, v6  }
0xf4: {  	v18 =	vadd.s32 s22, v2;
	v17 =	vld [tilespmem:s21+$0xA0];
	[tilespmem:v16+s15+$0x0] =	vst.idx.msk $0xffff, v10  }
0xf5: {  	v20 =	vadd.s32 s26, v3;
	v19 =	vld [tilespmem:s21+$0xFFFFFF70];
	[tilespmem:v13+s15+$0x0] =	vst.idx.msk $0xffff, v12  }
0xf6: {  	[tilespmem:v9+s15+$0x0] =	vst.idx.msk $0xffff, v8;
	v6 =	vld [tilespmem:s21+$0x30]  }
0xf7: {  	v13 =	vadd.s32 s29, v3;
	[tilespmem:v15+s15+$0x0] =	vst.idx.msk $0xffff, v14;
	v11 =	vld [tilespmem:s21+$0xFFFFFF30]  }
0xf8: {  	v8 =	vadd.s32 s31, v3;
	[tilespmem:v5+s15+$0x0] =	vst.idx.msk $0xffff, v4;
	v4 =	vld [tilespmem:s21+$0xFFFFFFB0]  }
0xf9: {  	v7 =	vadd.s32 s23, v3;
	[tilespmem:v18+s15+$0x0] =	vst.idx.msk $0xffff, v17;
	v5 =	vld [tilespmem:s21+$0xFFFFFFF0]  }
0xfa: {  	s23 =	simm.s32 $0x0;
	v12 =	vadd.s32 s25, v3;
	v9 =	vadd.s32 s24, v3;
	[tilespmem:v20+s15+$0x0] =	vst.idx.msk $0xffff, v19;
	v10 =	vld [tilespmem:s21+$0x70]  }
.LBB2_12:
0xfb: {  	s0 =	sadd.s32 $0x10F, s23  }
0xfc: {  	[tilespmem:v13+s15+$0x0] =	vst.idx.msk $0xffff, v11;
	v11 =	vld [tilespmem:s21+$0xB0];
	v13 =	vadd.s32 s22, v3;
	s21 =	sadd.s32 $0x200, s21;
	s30 =	smov.u32 s23;
	s23 =	sadd.s32 $0x8, s23  }
0xfd: {  	s24 =	sadd.s32 $0x109, s30;
	v14 =	vld [tilespmem:s21+$0xC0];
	v15 =	vadd.s32 s0, v0;
	p0 =	slt.u32 s23, $0x78;
	[tilespmem:v8+s15+$0x0] =	vst.idx.msk $0xffff, v4  }
0xfe: {  	s25 =	sadd.s32 $0x10A, s30;
	v4 =	vld [tilespmem:s21+$0xFFFFFF40];
	v8 =	vadd.s32 s24, v0;
	[tilespmem:v7+s15+$0x0] =	vst.idx.msk $0xffff, v5  }
0xff: {  	s26 =	sadd.s32 $0x10B, s30;
	v7 =	vadd.s32 s25, v0;
	v5 =	vld [tilespmem:s21+$0xFFFFFF80];
	[tilespmem:v9+s15+$0x0] =	vst.idx.msk $0xffff, v6  }
0x100: {  	s28 =	sadd.s32 $0x10C, s30;
	v9 =	vadd.s32 s26, v0;
	v6 =	vld [tilespmem:s21+$0xFFFFFFC0];
	[tilespmem:v12+s15+$0x0] =	vst.idx.msk $0xffff, v10  }
0x101: {  	s29 =	sadd.s32 $0x10D, s30;
	v12 =	vadd.s32 s28, v0;
	v10 =	vld [tilespmem:s21+$0x0];
	[tilespmem:v13+s15+$0x0] =	vst.idx.msk $0xffff, v11  }
0x102: {  	v13 =	vadd.s32 s29, v0;
	v11 =	vld [tilespmem:s21+$0x40];
	[tilespmem:v15+s15+$0x0] =	vst.idx.msk $0xffff, v14  }
0x103: {  	s22 =	sadd.s32 $0x10E, s30;
	[tilespmem:v8+s15+$0x0] =	vst.idx.msk $0xffff, v4;
	v4 =	vld [tilespmem:s21+$0xD0];
	v8 =	vadd.s32 s0, v1  }
0x104: {  	s30 =	sadd.s32 $0x108, s30;
	[tilespmem:v7+s15+$0x0] =	vst.idx.msk $0xffff, v5;
	v5 =	vld [tilespmem:s21+$0x80];
	v7 =	vadd.s32 s22, v0  }
0x105: {  	v15 =	vadd.s32 s30, v0;
	v14 =	vld [tilespmem:s21+$0xFFFFFF00];
	[tilespmem:v9+s15+$0x0] =	vst.idx.msk $0xffff, v6  }
0x106: {  	v9 =	vadd.s32 s24, v1;
	v6 =	vld [tilespmem:s21+$0xFFFFFF50];
	[tilespmem:v12+s15+$0x0] =	vst.idx.msk $0xffff, v10  }
0x107: {  	v12 =	vadd.s32 s25, v1;
	v10 =	vld [tilespmem:s21+$0xFFFFFF90];
	[tilespmem:v13+s15+$0x0] =	vst.idx.msk $0xffff, v11  }
0x108: {  	v13 =	vadd.s32 s26, v1;
	v11 =	vld [tilespmem:s21+$0xFFFFFFD0];
	[tilespmem:v8+s15+$0x0] =	vst.idx.msk $0xffff, v4  }
0x109: {  	[tilespmem:v7+s15+$0x0] =	vst.idx.msk $0xffff, v5;
	v4 =	vld [tilespmem:s21+$0xE0];
	v5 =	vadd.s32 s0, v2  }
0x10a: {  	v8 =	vadd.s32 s28, v1;
	[tilespmem:v15+s15+$0x0] =	vst.idx.msk $0xffff, v14;
	v7 =	vld [tilespmem:s21+$0x10]  }
0x10b: {  	v15 =	vadd.s32 s30, v1;
	v14 =	vld [tilespmem:s21+$0xFFFFFF10];
	[tilespmem:v9+s15+$0x0] =	vst.idx.msk $0xffff, v6  }
0x10c: {  	v9 =	vadd.s32 s29, v1;
	[tilespmem:v12+s15+$0x0] =	vst.idx.msk $0xffff, v10;
	v6 =	vld [tilespmem:s21+$0x50]  }
0x10d: {  	[tilespmem:v13+s15+$0x0] =	vst.idx.msk $0xffff, v11;
	v10 =	vld [tilespmem:s21+$0x90];
	v11 =	vadd.s32 s22, v1  }
0x10e: {  	v13 =	vadd.s32 s24, v2;
	v12 =	vld [tilespmem:s21+$0xFFFFFF60];
	[tilespmem:v5+s15+$0x0] =	vst.idx.msk $0xffff, v4  }
0x10f: {  	v5 =	vadd.s32 s0, v3;
	[tilespmem:v8+s15+$0x0] =	vst.idx.msk $0xffff, v7;
	v4 =	vld [tilespmem:s21+$0xF0]  }
0x110: {  	v8 =	vadd.s32 s25, v2;
	[tilespmem:v15+s15+$0x0] =	vst.idx.msk $0xffff, v14;
	v7 =	vld [tilespmem:s21+$0xFFFFFFA0]  }
0x111: {  	v15 =	vadd.s32 s30, v2;
	v14 =	vld [tilespmem:s21+$0xFFFFFF20];
	[tilespmem:v9+s15+$0x0] =	vst.idx.msk $0xffff, v6  }
0x112: {  	v9 =	vadd.s32 s26, v2;
	v6 =	vld [tilespmem:s21+$0xFFFFFFE0];
	[tilespmem:v11+s15+$0x0] =	vst.idx.msk $0xffff, v10  }
0x113: {  	[tilespmem:v13+s15+$0x0] =	vst.idx.msk $0xffff, v12;
	v10 =	vld [tilespmem:s21+$0x20];
	v12 =	vadd.s32 s28, v2  }
0x114: {  	v17 =	vadd.s32 s29, v2;
	v16 =	vld [tilespmem:s21+$0x60];
	[tilespmem:v5+s15+$0x0] =	vst.idx.msk $0xffff, v4  }
0x115: {  	v19 =	vadd.s32 s22, v2;
	[tilespmem:v8+s15+$0x0] =	vst.idx.msk $0xffff, v7;
	v18 =	vld [tilespmem:s21+$0xA0]  }
0x116: {  	[tilespmem:v15+s15+$0x0] =	vst.idx.msk $0xffff, v14;
	v14 =	vld [tilespmem:s21+$0xFFFFFF70];
	v15 =	vadd.s32 s24, v3  }
.Ltmp4:
0x117: {  	v13 =	vadd.s32 s30, v3;
	v11 =	vld [tilespmem:s21+$0xFFFFFF30];
	[tilespmem:v9+s15+$0x0] =	vst.idx.msk $0xffff, v6;
	(pc) =	sbr.rel @p0 .LBB2_12-.Ltmp4, $4  }
0x118: {  	v8 =	vadd.s32 s25, v3;
	v4 =	vld [tilespmem:s21+$0xFFFFFFB0];
	[tilespmem:v12+s15+$0x0] =	vst.idx.msk $0xffff, v10  }
0x119: {  	v7 =	vadd.s32 s26, v3;
	v5 =	vld [tilespmem:s21+$0xFFFFFFF0];
	[tilespmem:v17+s15+$0x0] =	vst.idx.msk $0xffff, v16  }
0x11a: {  	v9 =	vadd.s32 s28, v3;
	v6 =	vld [tilespmem:s21+$0x30];
	[tilespmem:v19+s15+$0x0] =	vst.idx.msk $0xffff, v18  }
0x11b: {  	v12 =	vadd.s32 s29, v3;
	[tilespmem:v15+s15+$0x0] =	vst.idx.msk $0xffff, v14;
	v10 =	vld [tilespmem:s21+$0x70]  }
0x11c: {  	_ =	sdelay $0x3  }
0x11d: {  	[tilespmem:v13+s15+$0x0] =	vst.idx.msk $0xffff, v11;
	v11 =	vld [tilespmem:s21+$0xB0];
	v13 =	vadd.s32 s22, v3  }
0x11e: {  	[tilespmem:v8+s15+$0x0] =	vst.idx.msk $0xffff, v4  }
0x11f: {  	[tilespmem:v7+s15+$0x0] =	vst.idx.msk $0xffff, v5  }
0x120: {  	[tilespmem:v9+s15+$0x0] =	vst.idx.msk $0xffff, v6  }
0x121: {  	[tilespmem:v12+s15+$0x0] =	vst.idx.msk $0xffff, v10  }
0x122: {  	[tilespmem:v13+s15+$0x0] =	vst.idx.msk $0xffff, v11  }
0x123: {  	_ =	swait.ge [sflag:s13], $0x2000  }
0x124: {  	s0 =	sadd.s32 $0x300, s20;
	[sflag:s13] =	ssyncset.done $0x0  }
0x125: {  	s21 =	simm.s32 $0xC500;
	s28 =	simm.s32 $0x187;
	[sflag:s13] =	ssyncadd.s32 $0xFFFFE000  }
0x126: {  	[tilespmem:s12], [sflag:$0x1] =	stream.indirect.gather [hbm4b:s3+s8], $0x40, s0, s8, $0xb8;
	[tilespmem:$0x1E600] =	vst v63  }
0x127: {  	s26 =	simm.s32 $0x181;
	v5 =	vadd.s32 s28, v0;
	v4 =	vld [tilespmem:s21+$0xC0]  }
0x128: {  	s31 =	simm.s32 $0x182;
	v7 =	vadd.s32 s26, v0;
	v6 =	vld [tilespmem:s21+$0xFFFFFF40]  }
0x129: {  	s23 =	simm.s32 $0x183;
	v9 =	vadd.s32 s31, v0;
	v8 =	vld [tilespmem:s21+$0xFFFFFF80]  }
0x12a: {  	s24 =	simm.s32 $0x184;
	v11 =	vadd.s32 s23, v0;
	v10 =	vld [tilespmem:s21+$0xFFFFFFC0]  }
0x12b: {  	s25 =	simm.s32 $0x185;
	v13 =	vadd.s32 s24, v0;
	v12 =	vld [tilespmem:s21+$0x0]  }
0x12c: {  	s22 =	simm.s32 $0x186;
	v15 =	vadd.s32 s25, v0;
	v14 =	vld [tilespmem:s21+$0x40];
	[tilespmem:v5+s15+$0x0] =	vst.idx.msk $0xffff, v4  }
0x12d: {  	s29 =	simm.s32 $0x180;
	[tilespmem:v7+s15+$0x0] =	vst.idx.msk $0xffff, v6;
	v6 =	vld [tilespmem:s21+$0x80];
	v7 =	vadd.s32 s22, v0  }
0x12e: {  	[tilespmem:v9+s15+$0x0] =	vst.idx.msk $0xffff, v8;
	v8 =	vld [tilespmem:s21+$0xFFFFFF00];
	v9 =	vadd.s32 s29, v0  }
0x12f: {  	v5 =	vadd.s32 s28, v1;
	[tilespmem:v11+s15+$0x0] =	vst.idx.msk $0xffff, v10;
	v4 =	vld [tilespmem:s21+$0xD0]  }
0x130: {  	v11 =	vadd.s32 s26, v1;
	[tilespmem:v13+s15+$0x0] =	vst.idx.msk $0xffff, v12;
	v10 =	vld [tilespmem:s21+$0xFFFFFF50]  }
0x131: {  	v13 =	vadd.s32 s31, v1;
	[tilespmem:v15+s15+$0x0] =	vst.idx.msk $0xffff, v14;
	v12 =	vld [tilespmem:s21+$0xFFFFFF90]  }
0x132: {  	v15 =	vadd.s32 s23, v1;
	v14 =	vld [tilespmem:s21+$0xFFFFFFD0];
	[tilespmem:v7+s15+$0x0] =	vst.idx.msk $0xffff, v6  }
0x133: {  	[tilespmem:v9+s15+$0x0] =	vst.idx.msk $0xffff, v8;
	v6 =	vld [tilespmem:s21+$0x10];
	v7 =	vadd.s32 s24, v1  }
0x134: {  	v9 =	vadd.s32 s29, v1;
	[tilespmem:v5+s15+$0x0] =	vst.idx.msk $0xffff, v4;
	v8 =	vld [tilespmem:s21+$0xFFFFFF10]  }
0x135: {  	[tilespmem:v11+s15+$0x0] =	vst.idx.msk $0xffff, v10;
	v10 =	vld [tilespmem:s21+$0x50];
	v11 =	vadd.s32 s25, v1  }
0x136: {  	[tilespmem:v13+s15+$0x0] =	vst.idx.msk $0xffff, v12;
	v12 =	vld [tilespmem:s21+$0x90];
	v13 =	vadd.s32 s22, v1  }
0x137: {  	v5 =	vadd.s32 s28, v2;
	[tilespmem:v15+s15+$0x0] =	vst.idx.msk $0xffff, v14;
	v4 =	vld [tilespmem:s21+$0xE0]  }
0x138: {  	v15 =	vadd.s32 s26, v2;
	v14 =	vld [tilespmem:s21+$0xFFFFFF60];
	[tilespmem:v7+s15+$0x0] =	vst.idx.msk $0xffff, v6  }
0x139: {  	v6 =	vld [tilespmem:s21+$0xFFFFFFA0];
	v7 =	vadd.s32 s31, v2;
	[tilespmem:v9+s15+$0x0] =	vst.idx.msk $0xffff, v8  }
0x13a: {  	v16 =	vadd.s32 s23, v2;
	[tilespmem:v11+s15+$0x0] =	vst.idx.msk $0xffff, v10;
	v10 =	vld [tilespmem:s21+$0xFFFFFFE0]  }
0x13b: {  	[tilespmem:v13+s15+$0x0] =	vst.idx.msk $0xffff, v12;
	v12 =	vld [tilespmem:s21+$0x20];
	v13 =	vadd.s32 s24, v2  }
0x13c: {  	v9 =	vadd.s32 s29, v2;
	[tilespmem:v5+s15+$0x0] =	vst.idx.msk $0xffff, v4;
	v8 =	vld [tilespmem:s21+$0xFFFFFF20]  }
0x13d: {  	[tilespmem:v15+s15+$0x0] =	vst.idx.msk $0xffff, v14;
	v14 =	vld [tilespmem:s21+$0x60];
	v15 =	vadd.s32 s25, v2  }
0x13e: {  	v5 =	vadd.s32 s28, v3;
	v4 =	vld [tilespmem:s21+$0xF0];
	[tilespmem:v7+s15+$0x0] =	vst.idx.msk $0xffff, v6  }
0x13f: {  	v18 =	vadd.s32 s22, v2;
	v17 =	vld [tilespmem:s21+$0xA0];
	[tilespmem:v16+s15+$0x0] =	vst.idx.msk $0xffff, v10  }
0x140: {  	v20 =	vadd.s32 s26, v3;
	v19 =	vld [tilespmem:s21+$0xFFFFFF70];
	[tilespmem:v13+s15+$0x0] =	vst.idx.msk $0xffff, v12  }
0x141: {  	[tilespmem:v9+s15+$0x0] =	vst.idx.msk $0xffff, v8;
	v6 =	vld [tilespmem:s21+$0x30]  }
0x142: {  	v13 =	vadd.s32 s29, v3;
	[tilespmem:v15+s15+$0x0] =	vst.idx.msk $0xffff, v14;
	v11 =	vld [tilespmem:s21+$0xFFFFFF30]  }
0x143: {  	v8 =	vadd.s32 s31, v3;
	[tilespmem:v5+s15+$0x0] =	vst.idx.msk $0xffff, v4;
	v4 =	vld [tilespmem:s21+$0xFFFFFFB0]  }
0x144: {  	v7 =	vadd.s32 s23, v3;
	[tilespmem:v18+s15+$0x0] =	vst.idx.msk $0xffff, v17;
	v5 =	vld [tilespmem:s21+$0xFFFFFFF0]  }
0x145: {  	s23 =	simm.s32 $0x0;
	v12 =	vadd.s32 s25, v3;
	v9 =	vadd.s32 s24, v3;
	[tilespmem:v20+s15+$0x0] =	vst.idx.msk $0xffff, v19;
	v10 =	vld [tilespmem:s21+$0x70]  }
.LBB2_14:
0x146: {  	s0 =	sadd.s32 $0x18F, s23  }
0x147: {  	[tilespmem:v13+s15+$0x0] =	vst.idx.msk $0xffff, v11;
	v11 =	vld [tilespmem:s21+$0xB0];
	v13 =	vadd.s32 s22, v3;
	s21 =	sadd.s32 $0x200, s21;
	s30 =	smov.u32 s23;
	s23 =	sadd.s32 $0x8, s23  }
0x148: {  	s24 =	sadd.s32 $0x189, s30;
	v14 =	vld [tilespmem:s21+$0xC0];
	v15 =	vadd.s32 s0, v0;
	p0 =	slt.u32 s23, $0x78;
	[tilespmem:v8+s15+$0x0] =	vst.idx.msk $0xffff, v4  }
0x149: {  	s25 =	sadd.s32 $0x18A, s30;
	v4 =	vld [tilespmem:s21+$0xFFFFFF40];
	v8 =	vadd.s32 s24, v0;
	[tilespmem:v7+s15+$0x0] =	vst.idx.msk $0xffff, v5  }
0x14a: {  	s26 =	sadd.s32 $0x18B, s30;
	v7 =	vadd.s32 s25, v0;
	v5 =	vld [tilespmem:s21+$0xFFFFFF80];
	[tilespmem:v9+s15+$0x0] =	vst.idx.msk $0xffff, v6  }
0x14b: {  	s28 =	sadd.s32 $0x18C, s30;
	v9 =	vadd.s32 s26, v0;
	v6 =	vld [tilespmem:s21+$0xFFFFFFC0];
	[tilespmem:v12+s15+$0x0] =	vst.idx.msk $0xffff, v10  }
0x14c: {  	s29 =	sadd.s32 $0x18D, s30;
	v12 =	vadd.s32 s28, v0;
	v10 =	vld [tilespmem:s21+$0x0];
	[tilespmem:v13+s15+$0x0] =	vst.idx.msk $0xffff, v11  }
0x14d: {  	v13 =	vadd.s32 s29, v0;
	v11 =	vld [tilespmem:s21+$0x40];
	[tilespmem:v15+s15+$0x0] =	vst.idx.msk $0xffff, v14  }
0x14e: {  	s22 =	sadd.s32 $0x18E, s30;
	[tilespmem:v8+s15+$0x0] =	vst.idx.msk $0xffff, v4;
	v4 =	vld [tilespmem:s21+$0xD0];
	v8 =	vadd.s32 s0, v1  }
0x14f: {  	s30 =	sadd.s32 $0x188, s30;
	[tilespmem:v7+s15+$0x0] =	vst.idx.msk $0xffff, v5;
	v5 =	vld [tilespmem:s21+$0x80];
	v7 =	vadd.s32 s22, v0  }
0x150: {  	v15 =	vadd.s32 s30, v0;
	v14 =	vld [tilespmem:s21+$0xFFFFFF00];
	[tilespmem:v9+s15+$0x0] =	vst.idx.msk $0xffff, v6  }
0x151: {  	v9 =	vadd.s32 s24, v1;
	v6 =	vld [tilespmem:s21+$0xFFFFFF50];
	[tilespmem:v12+s15+$0x0] =	vst.idx.msk $0xffff, v10  }
0x152: {  	v12 =	vadd.s32 s25, v1;
	v10 =	vld [tilespmem:s21+$0xFFFFFF90];
	[tilespmem:v13+s15+$0x0] =	vst.idx.msk $0xffff, v11  }
0x153: {  	v13 =	vadd.s32 s26, v1;
	v11 =	vld [tilespmem:s21+$0xFFFFFFD0];
	[tilespmem:v8+s15+$0x0] =	vst.idx.msk $0xffff, v4  }
0x154: {  	[tilespmem:v7+s15+$0x0] =	vst.idx.msk $0xffff, v5;
	v4 =	vld [tilespmem:s21+$0xE0];
	v5 =	vadd.s32 s0, v2  }
0x155: {  	v8 =	vadd.s32 s28, v1;
	[tilespmem:v15+s15+$0x0] =	vst.idx.msk $0xffff, v14;
	v7 =	vld [tilespmem:s21+$0x10]  }
0x156: {  	v15 =	vadd.s32 s30, v1;
	v14 =	vld [tilespmem:s21+$0xFFFFFF10];
	[tilespmem:v9+s15+$0x0] =	vst.idx.msk $0xffff, v6  }
0x157: {  	v9 =	vadd.s32 s29, v1;
	[tilespmem:v12+s15+$0x0] =	vst.idx.msk $0xffff, v10;
	v6 =	vld [tilespmem:s21+$0x50]  }
0x158: {  	[tilespmem:v13+s15+$0x0] =	vst.idx.msk $0xffff, v11;
	v10 =	vld [tilespmem:s21+$0x90];
	v11 =	vadd.s32 s22, v1  }
0x159: {  	v13 =	vadd.s32 s24, v2;
	v12 =	vld [tilespmem:s21+$0xFFFFFF60];
	[tilespmem:v5+s15+$0x0] =	vst.idx.msk $0xffff, v4  }
0x15a: {  	v5 =	vadd.s32 s0, v3;
	[tilespmem:v8+s15+$0x0] =	vst.idx.msk $0xffff, v7;
	v4 =	vld [tilespmem:s21+$0xF0]  }
0x15b: {  	v8 =	vadd.s32 s25, v2;
	[tilespmem:v15+s15+$0x0] =	vst.idx.msk $0xffff, v14;
	v7 =	vld [tilespmem:s21+$0xFFFFFFA0]  }
0x15c: {  	v15 =	vadd.s32 s30, v2;
	v14 =	vld [tilespmem:s21+$0xFFFFFF20];
	[tilespmem:v9+s15+$0x0] =	vst.idx.msk $0xffff, v6  }
0x15d: {  	v9 =	vadd.s32 s26, v2;
	v6 =	vld [tilespmem:s21+$0xFFFFFFE0];
	[tilespmem:v11+s15+$0x0] =	vst.idx.msk $0xffff, v10  }
0x15e: {  	[tilespmem:v13+s15+$0x0] =	vst.idx.msk $0xffff, v12;
	v10 =	vld [tilespmem:s21+$0x20];
	v12 =	vadd.s32 s28, v2  }
0x15f: {  	v17 =	vadd.s32 s29, v2;
	v16 =	vld [tilespmem:s21+$0x60];
	[tilespmem:v5+s15+$0x0] =	vst.idx.msk $0xffff, v4  }
0x160: {  	v19 =	vadd.s32 s22, v2;
	[tilespmem:v8+s15+$0x0] =	vst.idx.msk $0xffff, v7;
	v18 =	vld [tilespmem:s21+$0xA0]  }
0x161: {  	[tilespmem:v15+s15+$0x0] =	vst.idx.msk $0xffff, v14;
	v14 =	vld [tilespmem:s21+$0xFFFFFF70];
	v15 =	vadd.s32 s24, v3  }
.Ltmp5:
0x162: {  	v13 =	vadd.s32 s30, v3;
	v11 =	vld [tilespmem:s21+$0xFFFFFF30];
	[tilespmem:v9+s15+$0x0] =	vst.idx.msk $0xffff, v6;
	(pc) =	sbr.rel @p0 .LBB2_14-.Ltmp5, $4  }
0x163: {  	v8 =	vadd.s32 s25, v3;
	v4 =	vld [tilespmem:s21+$0xFFFFFFB0];
	[tilespmem:v12+s15+$0x0] =	vst.idx.msk $0xffff, v10  }
0x164: {  	v7 =	vadd.s32 s26, v3;
	v5 =	vld [tilespmem:s21+$0xFFFFFFF0];
	[tilespmem:v17+s15+$0x0] =	vst.idx.msk $0xffff, v16  }
0x165: {  	v9 =	vadd.s32 s28, v3;
	v6 =	vld [tilespmem:s21+$0x30];
	[tilespmem:v19+s15+$0x0] =	vst.idx.msk $0xffff, v18  }
0x166: {  	v12 =	vadd.s32 s29, v3;
	[tilespmem:v15+s15+$0x0] =	vst.idx.msk $0xffff, v14;
	v10 =	vld [tilespmem:s21+$0x70]  }
0x167: {  	_ =	sdelay $0x3  }
0x168: {  	[tilespmem:v13+s15+$0x0] =	vst.idx.msk $0xffff, v11;
	v11 =	vld [tilespmem:s21+$0xB0];
	v13 =	vadd.s32 s22, v3  }
0x169: {  	[tilespmem:v8+s15+$0x0] =	vst.idx.msk $0xffff, v4  }
0x16a: {  	[tilespmem:v7+s15+$0x0] =	vst.idx.msk $0xffff, v5  }
0x16b: {  	[tilespmem:v9+s15+$0x0] =	vst.idx.msk $0xffff, v6  }
0x16c: {  	[tilespmem:v12+s15+$0x0] =	vst.idx.msk $0xffff, v10  }
0x16d: {  	[tilespmem:v13+s15+$0x0] =	vst.idx.msk $0xffff, v11  }
0x16e: {  	_ =	swait.ge [sflag:s13], $0x2000  }
0x16f: {  	s0 =	sadd.s32 $0x380, s20;
	[sflag:s13] =	ssyncset.done $0x0  }
0x170: {  	s20 =	simm.s32 $0x6500;
	s26 =	simm.s32 $0x207;
	[sflag:s13] =	ssyncadd.s32 $0xFFFFE000  }
0x171: {  	[tilespmem:s14], [sflag:$0x1] =	stream.indirect.gather [hbm4b:s3+s8], $0x40, s0, s8, $0xb8;
	[tilespmem:$0x1E600] =	vst v63  }
0x172: {  	s25 =	simm.s32 $0x201;
	v5 =	vadd.s32 s26, v0;
	v4 =	vld [tilespmem:s20+$0xC0]  }
0x173: {  	s30 =	simm.s32 $0x202;
	v7 =	vadd.s32 s25, v0;
	v6 =	vld [tilespmem:s20+$0xFFFFFF40]  }
0x174: {  	s31 =	simm.s32 $0x203;
	v9 =	vadd.s32 s30, v0;
	v8 =	vld [tilespmem:s20+$0xFFFFFF80]  }
0x175: {  	s23 =	simm.s32 $0x204;
	v11 =	vadd.s32 s31, v0;
	v10 =	vld [tilespmem:s20+$0xFFFFFFC0]  }
0x176: {  	s24 =	simm.s32 $0x205;
	v13 =	vadd.s32 s23, v0;
	v12 =	vld [tilespmem:s20+$0x0]  }
0x177: {  	s21 =	simm.s32 $0x206;
	v15 =	vadd.s32 s24, v0;
	v14 =	vld [tilespmem:s20+$0x40];
	[tilespmem:v5+s15+$0x0] =	vst.idx.msk $0xffff, v4  }
0x178: {  	s28 =	simm.s32 $0x200;
	[tilespmem:v7+s15+$0x0] =	vst.idx.msk $0xffff, v6;
	v6 =	vld [tilespmem:s20+$0x80];
	v7 =	vadd.s32 s21, v0  }
0x179: {  	[tilespmem:v9+s15+$0x0] =	vst.idx.msk $0xffff, v8;
	v8 =	vld [tilespmem:s20+$0xFFFFFF00];
	v9 =	vadd.s32 s28, v0  }
0x17a: {  	v5 =	vadd.s32 s26, v1;
	[tilespmem:v11+s15+$0x0] =	vst.idx.msk $0xffff, v10;
	v4 =	vld [tilespmem:s20+$0xD0]  }
0x17b: {  	v11 =	vadd.s32 s25, v1;
	[tilespmem:v13+s15+$0x0] =	vst.idx.msk $0xffff, v12;
	v10 =	vld [tilespmem:s20+$0xFFFFFF50]  }
0x17c: {  	v13 =	vadd.s32 s30, v1;
	[tilespmem:v15+s15+$0x0] =	vst.idx.msk $0xffff, v14;
	v12 =	vld [tilespmem:s20+$0xFFFFFF90]  }
0x17d: {  	v15 =	vadd.s32 s31, v1;
	v14 =	vld [tilespmem:s20+$0xFFFFFFD0];
	[tilespmem:v7+s15+$0x0] =	vst.idx.msk $0xffff, v6  }
0x17e: {  	[tilespmem:v9+s15+$0x0] =	vst.idx.msk $0xffff, v8;
	v6 =	vld [tilespmem:s20+$0x10];
	v7 =	vadd.s32 s23, v1  }
0x17f: {  	v9 =	vadd.s32 s28, v1;
	[tilespmem:v5+s15+$0x0] =	vst.idx.msk $0xffff, v4;
	v8 =	vld [tilespmem:s20+$0xFFFFFF10]  }
0x180: {  	[tilespmem:v11+s15+$0x0] =	vst.idx.msk $0xffff, v10;
	v10 =	vld [tilespmem:s20+$0x50];
	v11 =	vadd.s32 s24, v1  }
0x181: {  	[tilespmem:v13+s15+$0x0] =	vst.idx.msk $0xffff, v12;
	v12 =	vld [tilespmem:s20+$0x90];
	v13 =	vadd.s32 s21, v1  }
0x182: {  	v5 =	vadd.s32 s26, v2;
	[tilespmem:v15+s15+$0x0] =	vst.idx.msk $0xffff, v14;
	v4 =	vld [tilespmem:s20+$0xE0]  }
0x183: {  	v15 =	vadd.s32 s25, v2;
	v14 =	vld [tilespmem:s20+$0xFFFFFF60];
	[tilespmem:v7+s15+$0x0] =	vst.idx.msk $0xffff, v6  }
0x184: {  	v6 =	vld [tilespmem:s20+$0xFFFFFFA0];
	v7 =	vadd.s32 s30, v2;
	[tilespmem:v9+s15+$0x0] =	vst.idx.msk $0xffff, v8  }
0x185: {  	v16 =	vadd.s32 s31, v2;
	[tilespmem:v11+s15+$0x0] =	vst.idx.msk $0xffff, v10;
	v10 =	vld [tilespmem:s20+$0xFFFFFFE0]  }
0x186: {  	[tilespmem:v13+s15+$0x0] =	vst.idx.msk $0xffff, v12;
	v12 =	vld [tilespmem:s20+$0x20];
	v13 =	vadd.s32 s23, v2  }
0x187: {  	v9 =	vadd.s32 s28, v2;
	[tilespmem:v5+s15+$0x0] =	vst.idx.msk $0xffff, v4;
	v8 =	vld [tilespmem:s20+$0xFFFFFF20]  }
0x188: {  	[tilespmem:v15+s15+$0x0] =	vst.idx.msk $0xffff, v14;
	v14 =	vld [tilespmem:s20+$0x60];
	v15 =	vadd.s32 s24, v2  }
0x189: {  	v5 =	vadd.s32 s26, v3;
	v4 =	vld [tilespmem:s20+$0xF0];
	[tilespmem:v7+s15+$0x0] =	vst.idx.msk $0xffff, v6  }
0x18a: {  	v18 =	vadd.s32 s21, v2;
	v17 =	vld [tilespmem:s20+$0xA0];
	[tilespmem:v16+s15+$0x0] =	vst.idx.msk $0xffff, v10  }
0x18b: {  	v20 =	vadd.s32 s25, v3;
	v19 =	vld [tilespmem:s20+$0xFFFFFF70];
	[tilespmem:v13+s15+$0x0] =	vst.idx.msk $0xffff, v12  }
0x18c: {  	[tilespmem:v9+s15+$0x0] =	vst.idx.msk $0xffff, v8;
	v6 =	vld [tilespmem:s20+$0x30]  }
0x18d: {  	v13 =	vadd.s32 s28, v3;
	[tilespmem:v15+s15+$0x0] =	vst.idx.msk $0xffff, v14;
	v11 =	vld [tilespmem:s20+$0xFFFFFF30]  }
0x18e: {  	v8 =	vadd.s32 s30, v3;
	[tilespmem:v5+s15+$0x0] =	vst.idx.msk $0xffff, v4;
	v4 =	vld [tilespmem:s20+$0xFFFFFFB0]  }
0x18f: {  	v7 =	vadd.s32 s31, v3;
	[tilespmem:v18+s15+$0x0] =	vst.idx.msk $0xffff, v17;
	v5 =	vld [tilespmem:s20+$0xFFFFFFF0]  }
0x190: {  	s22 =	simm.s32 $0x0;
	v12 =	vadd.s32 s24, v3;
	v9 =	vadd.s32 s23, v3;
	[tilespmem:v20+s15+$0x0] =	vst.idx.msk $0xffff, v19;
	v10 =	vld [tilespmem:s20+$0x70]  }
.LBB2_16:
0x191: {  	s0 =	sadd.s32 $0x20F, s22  }
0x192: {  	[tilespmem:v13+s15+$0x0] =	vst.idx.msk $0xffff, v11;
	v11 =	vld [tilespmem:s20+$0xB0];
	v13 =	vadd.s32 s21, v3;
	s20 =	sadd.s32 $0x200, s20;
	s29 =	smov.u32 s22;
	s22 =	sadd.s32 $0x8, s22  }
0x193: {  	s23 =	sadd.s32 $0x209, s29;
	v14 =	vld [tilespmem:s20+$0xC0];
	v15 =	vadd.s32 s0, v0;
	p0 =	slt.u32 s22, $0x78;
	[tilespmem:v8+s15+$0x0] =	vst.idx.msk $0xffff, v4  }
0x194: {  	s24 =	sadd.s32 $0x20A, s29;
	v4 =	vld [tilespmem:s20+$0xFFFFFF40];
	v8 =	vadd.s32 s23, v0;
	[tilespmem:v7+s15+$0x0] =	vst.idx.msk $0xffff, v5  }
0x195: {  	s25 =	sadd.s32 $0x20B, s29;
	v7 =	vadd.s32 s24, v0;
	v5 =	vld [tilespmem:s20+$0xFFFFFF80];
	[tilespmem:v9+s15+$0x0] =	vst.idx.msk $0xffff, v6  }
0x196: {  	s26 =	sadd.s32 $0x20C, s29;
	v9 =	vadd.s32 s25, v0;
	v6 =	vld [tilespmem:s20+$0xFFFFFFC0];
	[tilespmem:v12+s15+$0x0] =	vst.idx.msk $0xffff, v10  }
0x197: {  	s28 =	sadd.s32 $0x20D, s29;
	v12 =	vadd.s32 s26, v0;
	v10 =	vld [tilespmem:s20+$0x0];
	[tilespmem:v13+s15+$0x0] =	vst.idx.msk $0xffff, v11  }
0x198: {  	v13 =	vadd.s32 s28, v0;
	v11 =	vld [tilespmem:s20+$0x40];
	[tilespmem:v15+s15+$0x0] =	vst.idx.msk $0xffff, v14  }
0x199: {  	s21 =	sadd.s32 $0x20E, s29;
	[tilespmem:v8+s15+$0x0] =	vst.idx.msk $0xffff, v4;
	v4 =	vld [tilespmem:s20+$0xD0];
	v8 =	vadd.s32 s0, v1  }
0x19a: {  	s29 =	sadd.s32 $0x208, s29;
	[tilespmem:v7+s15+$0x0] =	vst.idx.msk $0xffff, v5;
	v5 =	vld [tilespmem:s20+$0x80];
	v7 =	vadd.s32 s21, v0  }
0x19b: {  	v15 =	vadd.s32 s29, v0;
	v14 =	vld [tilespmem:s20+$0xFFFFFF00];
	[tilespmem:v9+s15+$0x0] =	vst.idx.msk $0xffff, v6  }
0x19c: {  	v9 =	vadd.s32 s23, v1;
	v6 =	vld [tilespmem:s20+$0xFFFFFF50];
	[tilespmem:v12+s15+$0x0] =	vst.idx.msk $0xffff, v10  }
0x19d: {  	v12 =	vadd.s32 s24, v1;
	v10 =	vld [tilespmem:s20+$0xFFFFFF90];
	[tilespmem:v13+s15+$0x0] =	vst.idx.msk $0xffff, v11  }
0x19e: {  	v13 =	vadd.s32 s25, v1;
	v11 =	vld [tilespmem:s20+$0xFFFFFFD0];
	[tilespmem:v8+s15+$0x0] =	vst.idx.msk $0xffff, v4  }
0x19f: {  	[tilespmem:v7+s15+$0x0] =	vst.idx.msk $0xffff, v5;
	v4 =	vld [tilespmem:s20+$0xE0];
	v5 =	vadd.s32 s0, v2  }
0x1a0: {  	v8 =	vadd.s32 s26, v1;
	[tilespmem:v15+s15+$0x0] =	vst.idx.msk $0xffff, v14;
	v7 =	vld [tilespmem:s20+$0x10]  }
0x1a1: {  	v15 =	vadd.s32 s29, v1;
	v14 =	vld [tilespmem:s20+$0xFFFFFF10];
	[tilespmem:v9+s15+$0x0] =	vst.idx.msk $0xffff, v6  }
0x1a2: {  	v9 =	vadd.s32 s28, v1;
	[tilespmem:v12+s15+$0x0] =	vst.idx.msk $0xffff, v10;
	v6 =	vld [tilespmem:s20+$0x50]  }
0x1a3: {  	[tilespmem:v13+s15+$0x0] =	vst.idx.msk $0xffff, v11;
	v10 =	vld [tilespmem:s20+$0x90];
	v11 =	vadd.s32 s21, v1  }
0x1a4: {  	v13 =	vadd.s32 s23, v2;
	v12 =	vld [tilespmem:s20+$0xFFFFFF60];
	[tilespmem:v5+s15+$0x0] =	vst.idx.msk $0xffff, v4  }
0x1a5: {  	v5 =	vadd.s32 s0, v3;
	[tilespmem:v8+s15+$0x0] =	vst.idx.msk $0xffff, v7;
	v4 =	vld [tilespmem:s20+$0xF0]  }
0x1a6: {  	v8 =	vadd.s32 s24, v2;
	[tilespmem:v15+s15+$0x0] =	vst.idx.msk $0xffff, v14;
	v7 =	vld [tilespmem:s20+$0xFFFFFFA0]  }
0x1a7: {  	v15 =	vadd.s32 s29, v2;
	v14 =	vld [tilespmem:s20+$0xFFFFFF20];
	[tilespmem:v9+s15+$0x0] =	vst.idx.msk $0xffff, v6  }
0x1a8: {  	v9 =	vadd.s32 s25, v2;
	v6 =	vld [tilespmem:s20+$0xFFFFFFE0];
	[tilespmem:v11+s15+$0x0] =	vst.idx.msk $0xffff, v10  }
0x1a9: {  	[tilespmem:v13+s15+$0x0] =	vst.idx.msk $0xffff, v12;
	v10 =	vld [tilespmem:s20+$0x20];
	v12 =	vadd.s32 s26, v2  }
0x1aa: {  	v17 =	vadd.s32 s28, v2;
	v16 =	vld [tilespmem:s20+$0x60];
	[tilespmem:v5+s15+$0x0] =	vst.idx.msk $0xffff, v4  }
0x1ab: {  	v19 =	vadd.s32 s21, v2;
	[tilespmem:v8+s15+$0x0] =	vst.idx.msk $0xffff, v7;
	v18 =	vld [tilespmem:s20+$0xA0]  }
0x1ac: {  	[tilespmem:v15+s15+$0x0] =	vst.idx.msk $0xffff, v14;
	v14 =	vld [tilespmem:s20+$0xFFFFFF70];
	v15 =	vadd.s32 s23, v3  }
.Ltmp6:
0x1ad: {  	v13 =	vadd.s32 s29, v3;
	v11 =	vld [tilespmem:s20+$0xFFFFFF30];
	[tilespmem:v9+s15+$0x0] =	vst.idx.msk $0xffff, v6;
	(pc) =	sbr.rel @p0 .LBB2_16-.Ltmp6, $4  }
0x1ae: {  	v8 =	vadd.s32 s24, v3;
	v4 =	vld [tilespmem:s20+$0xFFFFFFB0];
	[tilespmem:v12+s15+$0x0] =	vst.idx.msk $0xffff, v10  }
0x1af: {  	v7 =	vadd.s32 s25, v3;
	v5 =	vld [tilespmem:s20+$0xFFFFFFF0];
	[tilespmem:v17+s15+$0x0] =	vst.idx.msk $0xffff, v16  }
0x1b0: {  	v9 =	vadd.s32 s26, v3;
	v6 =	vld [tilespmem:s20+$0x30];
	[tilespmem:v19+s15+$0x0] =	vst.idx.msk $0xffff, v18  }
0x1b1: {  	v12 =	vadd.s32 s28, v3;
	[tilespmem:v15+s15+$0x0] =	vst.idx.msk $0xffff, v14;
	v10 =	vld [tilespmem:s20+$0x70]  }
0x1b2: {  	_ =	sdelay $0x3  }
0x1b3: {  	[tilespmem:v13+s15+$0x0] =	vst.idx.msk $0xffff, v11;
	v11 =	vld [tilespmem:s20+$0xB0];
	v13 =	vadd.s32 s21, v3  }
0x1b4: {  	[tilespmem:v8+s15+$0x0] =	vst.idx.msk $0xffff, v4  }
0x1b5: {  	[tilespmem:v7+s15+$0x0] =	vst.idx.msk $0xffff, v5  }
0x1b6: {  	[tilespmem:v9+s15+$0x0] =	vst.idx.msk $0xffff, v6  }
0x1b7: {  	s19 =	sadd.s32 $0x1, s19;
	[tilespmem:v12+s15+$0x0] =	vst.idx.msk $0xffff, v10  }
0x1b8: {  	p0 =	slt.s32 s19, $0x18;
	s0 =	smov.u32 s19;
	[tilespmem:v13+s15+$0x0] =	vst.idx.msk $0xffff, v11  }
0x1b9: {  	s0 =	simm.s32 @!p0 $0x18;
	_ =	swait.ge [sflag:s13], $0x2000  }
0x1ba: {  	s21 =	simm.s32 $0x8500;
	s0 =	sshll.u32 s0, $0xA;
	[sflag:s13] =	ssyncset.done $0x0  }
0x1bb: {  	s28 =	simm.s32 $0x287;
	s20 =	sand.u32 $0x3FFFFC00, s0;
	[sflag:s13] =	ssyncadd.s32 $0xFFFFE000  }
0x1bc: {  	[tilespmem:s9], [sflag:$0x1] =	stream.indirect.gather [hbm4b:s3+s8], $0x40, s20, s8, $0xb8;
	[tilespmem:$0x1E600] =	vst v63  }
0x1bd: {  	s26 =	simm.s32 $0x281;
	v5 =	vadd.s32 s28, v0;
	v4 =	vld [tilespmem:s21+$0xC0]  }
0x1be: {  	s31 =	simm.s32 $0x282;
	v7 =	vadd.s32 s26, v0;
	v6 =	vld [tilespmem:s21+$0xFFFFFF40]  }
0x1bf: {  	s23 =	simm.s32 $0x283;
	v9 =	vadd.s32 s31, v0;
	v8 =	vld [tilespmem:s21+$0xFFFFFF80]  }
0x1c0: {  	s24 =	simm.s32 $0x284;
	v11 =	vadd.s32 s23, v0;
	v10 =	vld [tilespmem:s21+$0xFFFFFFC0]  }
0x1c1: {  	s25 =	simm.s32 $0x285;
	v13 =	vadd.s32 s24, v0;
	v12 =	vld [tilespmem:s21+$0x0]  }
0x1c2: {  	s22 =	simm.s32 $0x286;
	v15 =	vadd.s32 s25, v0;
	v14 =	vld [tilespmem:s21+$0x40];
	[tilespmem:v5+s15+$0x0] =	vst.idx.msk $0xffff, v4  }
0x1c3: {  	s29 =	simm.s32 $0x280;
	[tilespmem:v7+s15+$0x0] =	vst.idx.msk $0xffff, v6;
	v6 =	vld [tilespmem:s21+$0x80];
	v7 =	vadd.s32 s22, v0  }
0x1c4: {  	[tilespmem:v9+s15+$0x0] =	vst.idx.msk $0xffff, v8;
	v8 =	vld [tilespmem:s21+$0xFFFFFF00];
	v9 =	vadd.s32 s29, v0  }
0x1c5: {  	v5 =	vadd.s32 s28, v1;
	[tilespmem:v11+s15+$0x0] =	vst.idx.msk $0xffff, v10;
	v4 =	vld [tilespmem:s21+$0xD0]  }
0x1c6: {  	v11 =	vadd.s32 s26, v1;
	[tilespmem:v13+s15+$0x0] =	vst.idx.msk $0xffff, v12;
	v10 =	vld [tilespmem:s21+$0xFFFFFF50]  }
0x1c7: {  	v13 =	vadd.s32 s31, v1;
	[tilespmem:v15+s15+$0x0] =	vst.idx.msk $0xffff, v14;
	v12 =	vld [tilespmem:s21+$0xFFFFFF90]  }
0x1c8: {  	v15 =	vadd.s32 s23, v1;
	v14 =	vld [tilespmem:s21+$0xFFFFFFD0];
	[tilespmem:v7+s15+$0x0] =	vst.idx.msk $0xffff, v6  }
0x1c9: {  	[tilespmem:v9+s15+$0x0] =	vst.idx.msk $0xffff, v8;
	v6 =	vld [tilespmem:s21+$0x10];
	v7 =	vadd.s32 s24, v1  }
0x1ca: {  	v9 =	vadd.s32 s29, v1;
	[tilespmem:v5+s15+$0x0] =	vst.idx.msk $0xffff, v4;
	v8 =	vld [tilespmem:s21+$0xFFFFFF10]  }
0x1cb: {  	[tilespmem:v11+s15+$0x0] =	vst.idx.msk $0xffff, v10;
	v10 =	vld [tilespmem:s21+$0x50];
	v11 =	vadd.s32 s25, v1  }
0x1cc: {  	[tilespmem:v13+s15+$0x0] =	vst.idx.msk $0xffff, v12;
	v12 =	vld [tilespmem:s21+$0x90];
	v13 =	vadd.s32 s22, v1  }
0x1cd: {  	v5 =	vadd.s32 s28, v2;
	[tilespmem:v15+s15+$0x0] =	vst.idx.msk $0xffff, v14;
	v4 =	vld [tilespmem:s21+$0xE0]  }
0x1ce: {  	v15 =	vadd.s32 s26, v2;
	v14 =	vld [tilespmem:s21+$0xFFFFFF60];
	[tilespmem:v7+s15+$0x0] =	vst.idx.msk $0xffff, v6  }
0x1cf: {  	v6 =	vld [tilespmem:s21+$0xFFFFFFA0];
	v7 =	vadd.s32 s31, v2;
	[tilespmem:v9+s15+$0x0] =	vst.idx.msk $0xffff, v8  }
0x1d0: {  	v16 =	vadd.s32 s23, v2;
	[tilespmem:v11+s15+$0x0] =	vst.idx.msk $0xffff, v10;
	v10 =	vld [tilespmem:s21+$0xFFFFFFE0]  }
0x1d1: {  	[tilespmem:v13+s15+$0x0] =	vst.idx.msk $0xffff, v12;
	v12 =	vld [tilespmem:s21+$0x20];
	v13 =	vadd.s32 s24, v2  }
0x1d2: {  	v9 =	vadd.s32 s29, v2;
	[tilespmem:v5+s15+$0x0] =	vst.idx.msk $0xffff, v4;
	v8 =	vld [tilespmem:s21+$0xFFFFFF20]  }
0x1d3: {  	[tilespmem:v15+s15+$0x0] =	vst.idx.msk $0xffff, v14;
	v14 =	vld [tilespmem:s21+$0x60];
	v15 =	vadd.s32 s25, v2  }
0x1d4: {  	v5 =	vadd.s32 s28, v3;
	v4 =	vld [tilespmem:s21+$0xF0];
	[tilespmem:v7+s15+$0x0] =	vst.idx.msk $0xffff, v6  }
0x1d5: {  	v18 =	vadd.s32 s22, v2;
	v17 =	vld [tilespmem:s21+$0xA0];
	[tilespmem:v16+s15+$0x0] =	vst.idx.msk $0xffff, v10  }
0x1d6: {  	v20 =	vadd.s32 s26, v3;
	v19 =	vld [tilespmem:s21+$0xFFFFFF70];
	[tilespmem:v13+s15+$0x0] =	vst.idx.msk $0xffff, v12  }
0x1d7: {  	[tilespmem:v9+s15+$0x0] =	vst.idx.msk $0xffff, v8;
	v6 =	vld [tilespmem:s21+$0x30]  }
0x1d8: {  	v13 =	vadd.s32 s29, v3;
	[tilespmem:v15+s15+$0x0] =	vst.idx.msk $0xffff, v14;
	v11 =	vld [tilespmem:s21+$0xFFFFFF30]  }
0x1d9: {  	v8 =	vadd.s32 s31, v3;
	[tilespmem:v5+s15+$0x0] =	vst.idx.msk $0xffff, v4;
	v4 =	vld [tilespmem:s21+$0xFFFFFFB0]  }
0x1da: {  	v7 =	vadd.s32 s23, v3;
	[tilespmem:v18+s15+$0x0] =	vst.idx.msk $0xffff, v17;
	v5 =	vld [tilespmem:s21+$0xFFFFFFF0]  }
0x1db: {  	s23 =	simm.s32 $0x0;
	v12 =	vadd.s32 s25, v3;
	v9 =	vadd.s32 s24, v3;
	[tilespmem:v20+s15+$0x0] =	vst.idx.msk $0xffff, v19;
	v10 =	vld [tilespmem:s21+$0x70]  }
.LBB2_18:
0x1dc: {  	s0 =	sadd.s32 $0x28F, s23  }
0x1dd: {  	[tilespmem:v13+s15+$0x0] =	vst.idx.msk $0xffff, v11;
	v11 =	vld [tilespmem:s21+$0xB0];
	v13 =	vadd.s32 s22, v3;
	s21 =	sadd.s32 $0x200, s21;
	s30 =	smov.u32 s23;
	s23 =	sadd.s32 $0x8, s23  }
0x1de: {  	s24 =	sadd.s32 $0x289, s30;
	v14 =	vld [tilespmem:s21+$0xC0];
	v15 =	vadd.s32 s0, v0;
	p0 =	slt.u32 s23, $0x78;
	[tilespmem:v8+s15+$0x0] =	vst.idx.msk $0xffff, v4  }
0x1df: {  	s25 =	sadd.s32 $0x28A, s30;
	v4 =	vld [tilespmem:s21+$0xFFFFFF40];
	v8 =	vadd.s32 s24, v0;
	[tilespmem:v7+s15+$0x0] =	vst.idx.msk $0xffff, v5  }
0x1e0: {  	s26 =	sadd.s32 $0x28B, s30;
	v7 =	vadd.s32 s25, v0;
	v5 =	vld [tilespmem:s21+$0xFFFFFF80];
	[tilespmem:v9+s15+$0x0] =	vst.idx.msk $0xffff, v6  }
0x1e1: {  	s28 =	sadd.s32 $0x28C, s30;
	v9 =	vadd.s32 s26, v0;
	v6 =	vld [tilespmem:s21+$0xFFFFFFC0];
	[tilespmem:v12+s15+$0x0] =	vst.idx.msk $0xffff, v10  }
0x1e2: {  	s29 =	sadd.s32 $0x28D, s30;
	v12 =	vadd.s32 s28, v0;
	v10 =	vld [tilespmem:s21+$0x0];
	[tilespmem:v13+s15+$0x0] =	vst.idx.msk $0xffff, v11  }
0x1e3: {  	v13 =	vadd.s32 s29, v0;
	v11 =	vld [tilespmem:s21+$0x40];
	[tilespmem:v15+s15+$0x0] =	vst.idx.msk $0xffff, v14  }
0x1e4: {  	s22 =	sadd.s32 $0x28E, s30;
	[tilespmem:v8+s15+$0x0] =	vst.idx.msk $0xffff, v4;
	v4 =	vld [tilespmem:s21+$0xD0];
	v8 =	vadd.s32 s0, v1  }
0x1e5: {  	s30 =	sadd.s32 $0x288, s30;
	[tilespmem:v7+s15+$0x0] =	vst.idx.msk $0xffff, v5;
	v5 =	vld [tilespmem:s21+$0x80];
	v7 =	vadd.s32 s22, v0  }
0x1e6: {  	v15 =	vadd.s32 s30, v0;
	v14 =	vld [tilespmem:s21+$0xFFFFFF00];
	[tilespmem:v9+s15+$0x0] =	vst.idx.msk $0xffff, v6  }
0x1e7: {  	v9 =	vadd.s32 s24, v1;
	v6 =	vld [tilespmem:s21+$0xFFFFFF50];
	[tilespmem:v12+s15+$0x0] =	vst.idx.msk $0xffff, v10  }
0x1e8: {  	v12 =	vadd.s32 s25, v1;
	v10 =	vld [tilespmem:s21+$0xFFFFFF90];
	[tilespmem:v13+s15+$0x0] =	vst.idx.msk $0xffff, v11  }
0x1e9: {  	v13 =	vadd.s32 s26, v1;
	v11 =	vld [tilespmem:s21+$0xFFFFFFD0];
	[tilespmem:v8+s15+$0x0] =	vst.idx.msk $0xffff, v4  }
0x1ea: {  	[tilespmem:v7+s15+$0x0] =	vst.idx.msk $0xffff, v5;
	v4 =	vld [tilespmem:s21+$0xE0];
	v5 =	vadd.s32 s0, v2  }
0x1eb: {  	v8 =	vadd.s32 s28, v1;
	[tilespmem:v15+s15+$0x0] =	vst.idx.msk $0xffff, v14;
	v7 =	vld [tilespmem:s21+$0x10]  }
0x1ec: {  	v15 =	vadd.s32 s30, v1;
	v14 =	vld [tilespmem:s21+$0xFFFFFF10];
	[tilespmem:v9+s15+$0x0] =	vst.idx.msk $0xffff, v6  }
0x1ed: {  	v9 =	vadd.s32 s29, v1;
	[tilespmem:v12+s15+$0x0] =	vst.idx.msk $0xffff, v10;
	v6 =	vld [tilespmem:s21+$0x50]  }
0x1ee: {  	[tilespmem:v13+s15+$0x0] =	vst.idx.msk $0xffff, v11;
	v10 =	vld [tilespmem:s21+$0x90];
	v11 =	vadd.s32 s22, v1  }
0x1ef: {  	v13 =	vadd.s32 s24, v2;
	v12 =	vld [tilespmem:s21+$0xFFFFFF60];
	[tilespmem:v5+s15+$0x0] =	vst.idx.msk $0xffff, v4  }
0x1f0: {  	v5 =	vadd.s32 s0, v3;
	[tilespmem:v8+s15+$0x0] =	vst.idx.msk $0xffff, v7;
	v4 =	vld [tilespmem:s21+$0xF0]  }
0x1f1: {  	v8 =	vadd.s32 s25, v2;
	[tilespmem:v15+s15+$0x0] =	vst.idx.msk $0xffff, v14;
	v7 =	vld [tilespmem:s21+$0xFFFFFFA0]  }
0x1f2: {  	v15 =	vadd.s32 s30, v2;
	v14 =	vld [tilespmem:s21+$0xFFFFFF20];
	[tilespmem:v9+s15+$0x0] =	vst.idx.msk $0xffff, v6  }
0x1f3: {  	v9 =	vadd.s32 s26, v2;
	v6 =	vld [tilespmem:s21+$0xFFFFFFE0];
	[tilespmem:v11+s15+$0x0] =	vst.idx.msk $0xffff, v10  }
0x1f4: {  	[tilespmem:v13+s15+$0x0] =	vst.idx.msk $0xffff, v12;
	v10 =	vld [tilespmem:s21+$0x20];
	v12 =	vadd.s32 s28, v2  }
0x1f5: {  	v17 =	vadd.s32 s29, v2;
	v16 =	vld [tilespmem:s21+$0x60];
	[tilespmem:v5+s15+$0x0] =	vst.idx.msk $0xffff, v4  }
0x1f6: {  	v19 =	vadd.s32 s22, v2;
	[tilespmem:v8+s15+$0x0] =	vst.idx.msk $0xffff, v7;
	v18 =	vld [tilespmem:s21+$0xA0]  }
0x1f7: {  	[tilespmem:v15+s15+$0x0] =	vst.idx.msk $0xffff, v14;
	v14 =	vld [tilespmem:s21+$0xFFFFFF70];
	v15 =	vadd.s32 s24, v3  }
.Ltmp7:
0x1f8: {  	v13 =	vadd.s32 s30, v3;
	v11 =	vld [tilespmem:s21+$0xFFFFFF30];
	[tilespmem:v9+s15+$0x0] =	vst.idx.msk $0xffff, v6;
	(pc) =	sbr.rel @p0 .LBB2_18-.Ltmp7, $4  }
0x1f9: {  	v8 =	vadd.s32 s25, v3;
	v4 =	vld [tilespmem:s21+$0xFFFFFFB0];
	[tilespmem:v12+s15+$0x0] =	vst.idx.msk $0xffff, v10  }
0x1fa: {  	v7 =	vadd.s32 s26, v3;
	v5 =	vld [tilespmem:s21+$0xFFFFFFF0];
	[tilespmem:v17+s15+$0x0] =	vst.idx.msk $0xffff, v16  }
0x1fb: {  	v9 =	vadd.s32 s28, v3;
	v6 =	vld [tilespmem:s21+$0x30];
	[tilespmem:v19+s15+$0x0] =	vst.idx.msk $0xffff, v18  }
0x1fc: {  	v12 =	vadd.s32 s29, v3;
	[tilespmem:v15+s15+$0x0] =	vst.idx.msk $0xffff, v14;
	v10 =	vld [tilespmem:s21+$0x70]  }
0x1fd: {  	_ =	sdelay $0x3  }
0x1fe: {  	[tilespmem:v13+s15+$0x0] =	vst.idx.msk $0xffff, v11;
	v11 =	vld [tilespmem:s21+$0xB0];
	v13 =	vadd.s32 s22, v3  }
0x1ff: {  	[tilespmem:v8+s15+$0x0] =	vst.idx.msk $0xffff, v4  }
0x200: {  	[tilespmem:v7+s15+$0x0] =	vst.idx.msk $0xffff, v5  }
0x201: {  	[tilespmem:v9+s15+$0x0] =	vst.idx.msk $0xffff, v6  }
0x202: {  	[tilespmem:v12+s15+$0x0] =	vst.idx.msk $0xffff, v10  }
0x203: {  	[tilespmem:v13+s15+$0x0] =	vst.idx.msk $0xffff, v11  }
0x204: {  	_ =	swait.ge [sflag:s13], $0x2000  }
0x205: {  	s0 =	sadd.s32 $0x80, s20;
	[sflag:s13] =	ssyncset.done $0x0  }
0x206: {  	s21 =	simm.s32 $0xA500;
	s28 =	simm.s32 $0x307;
	[sflag:s13] =	ssyncadd.s32 $0xFFFFE000  }
0x207: {  	[tilespmem:s10], [sflag:$0x1] =	stream.indirect.gather [hbm4b:s3+s8], $0x40, s0, s8, $0xb8;
	[tilespmem:$0x1E600] =	vst v63  }
0x208: {  	s26 =	simm.s32 $0x301;
	v5 =	vadd.s32 s28, v0;
	v4 =	vld [tilespmem:s21+$0xC0]  }
0x209: {  	s31 =	simm.s32 $0x302;
	v7 =	vadd.s32 s26, v0;
	v6 =	vld [tilespmem:s21+$0xFFFFFF40]  }
0x20a: {  	s23 =	simm.s32 $0x303;
	v9 =	vadd.s32 s31, v0;
	v8 =	vld [tilespmem:s21+$0xFFFFFF80]  }
0x20b: {  	s24 =	simm.s32 $0x304;
	v11 =	vadd.s32 s23, v0;
	v10 =	vld [tilespmem:s21+$0xFFFFFFC0]  }
0x20c: {  	s25 =	simm.s32 $0x305;
	v13 =	vadd.s32 s24, v0;
	v12 =	vld [tilespmem:s21+$0x0]  }
0x20d: {  	s22 =	simm.s32 $0x306;
	v15 =	vadd.s32 s25, v0;
	v14 =	vld [tilespmem:s21+$0x40];
	[tilespmem:v5+s15+$0x0] =	vst.idx.msk $0xffff, v4  }
0x20e: {  	s29 =	simm.s32 $0x300;
	[tilespmem:v7+s15+$0x0] =	vst.idx.msk $0xffff, v6;
	v6 =	vld [tilespmem:s21+$0x80];
	v7 =	vadd.s32 s22, v0  }
0x20f: {  	[tilespmem:v9+s15+$0x0] =	vst.idx.msk $0xffff, v8;
	v8 =	vld [tilespmem:s21+$0xFFFFFF00];
	v9 =	vadd.s32 s29, v0  }
0x210: {  	v5 =	vadd.s32 s28, v1;
	[tilespmem:v11+s15+$0x0] =	vst.idx.msk $0xffff, v10;
	v4 =	vld [tilespmem:s21+$0xD0]  }
0x211: {  	v11 =	vadd.s32 s26, v1;
	[tilespmem:v13+s15+$0x0] =	vst.idx.msk $0xffff, v12;
	v10 =	vld [tilespmem:s21+$0xFFFFFF50]  }
0x212: {  	v13 =	vadd.s32 s31, v1;
	[tilespmem:v15+s15+$0x0] =	vst.idx.msk $0xffff, v14;
	v12 =	vld [tilespmem:s21+$0xFFFFFF90]  }
0x213: {  	v15 =	vadd.s32 s23, v1;
	v14 =	vld [tilespmem:s21+$0xFFFFFFD0];
	[tilespmem:v7+s15+$0x0] =	vst.idx.msk $0xffff, v6  }
0x214: {  	[tilespmem:v9+s15+$0x0] =	vst.idx.msk $0xffff, v8;
	v6 =	vld [tilespmem:s21+$0x10];
	v7 =	vadd.s32 s24, v1  }
0x215: {  	v9 =	vadd.s32 s29, v1;
	[tilespmem:v5+s15+$0x0] =	vst.idx.msk $0xffff, v4;
	v8 =	vld [tilespmem:s21+$0xFFFFFF10]  }
0x216: {  	[tilespmem:v11+s15+$0x0] =	vst.idx.msk $0xffff, v10;
	v10 =	vld [tilespmem:s21+$0x50];
	v11 =	vadd.s32 s25, v1  }
0x217: {  	[tilespmem:v13+s15+$0x0] =	vst.idx.msk $0xffff, v12;
	v12 =	vld [tilespmem:s21+$0x90];
	v13 =	vadd.s32 s22, v1  }
0x218: {  	v5 =	vadd.s32 s28, v2;
	[tilespmem:v15+s15+$0x0] =	vst.idx.msk $0xffff, v14;
	v4 =	vld [tilespmem:s21+$0xE0]  }
0x219: {  	v15 =	vadd.s32 s26, v2;
	v14 =	vld [tilespmem:s21+$0xFFFFFF60];
	[tilespmem:v7+s15+$0x0] =	vst.idx.msk $0xffff, v6  }
0x21a: {  	v6 =	vld [tilespmem:s21+$0xFFFFFFA0];
	v7 =	vadd.s32 s31, v2;
	[tilespmem:v9+s15+$0x0] =	vst.idx.msk $0xffff, v8  }
0x21b: {  	v16 =	vadd.s32 s23, v2;
	[tilespmem:v11+s15+$0x0] =	vst.idx.msk $0xffff, v10;
	v10 =	vld [tilespmem:s21+$0xFFFFFFE0]  }
0x21c: {  	[tilespmem:v13+s15+$0x0] =	vst.idx.msk $0xffff, v12;
	v12 =	vld [tilespmem:s21+$0x20];
	v13 =	vadd.s32 s24, v2  }
0x21d: {  	v9 =	vadd.s32 s29, v2;
	[tilespmem:v5+s15+$0x0] =	vst.idx.msk $0xffff, v4;
	v8 =	vld [tilespmem:s21+$0xFFFFFF20]  }
0x21e: {  	[tilespmem:v15+s15+$0x0] =	vst.idx.msk $0xffff, v14;
	v14 =	vld [tilespmem:s21+$0x60];
	v15 =	vadd.s32 s25, v2  }
0x21f: {  	v5 =	vadd.s32 s28, v3;
	v4 =	vld [tilespmem:s21+$0xF0];
	[tilespmem:v7+s15+$0x0] =	vst.idx.msk $0xffff, v6  }
0x220: {  	v18 =	vadd.s32 s22, v2;
	v17 =	vld [tilespmem:s21+$0xA0];
	[tilespmem:v16+s15+$0x0] =	vst.idx.msk $0xffff, v10  }
0x221: {  	v20 =	vadd.s32 s26, v3;
	v19 =	vld [tilespmem:s21+$0xFFFFFF70];
	[tilespmem:v13+s15+$0x0] =	vst.idx.msk $0xffff, v12  }
0x222: {  	[tilespmem:v9+s15+$0x0] =	vst.idx.msk $0xffff, v8;
	v6 =	vld [tilespmem:s21+$0x30]  }
0x223: {  	v13 =	vadd.s32 s29, v3;
	[tilespmem:v15+s15+$0x0] =	vst.idx.msk $0xffff, v14;
	v11 =	vld [tilespmem:s21+$0xFFFFFF30]  }
0x224: {  	v8 =	vadd.s32 s31, v3;
	[tilespmem:v5+s15+$0x0] =	vst.idx.msk $0xffff, v4;
	v4 =	vld [tilespmem:s21+$0xFFFFFFB0]  }
0x225: {  	v7 =	vadd.s32 s23, v3;
	[tilespmem:v18+s15+$0x0] =	vst.idx.msk $0xffff, v17;
	v5 =	vld [tilespmem:s21+$0xFFFFFFF0]  }
0x226: {  	s23 =	simm.s32 $0x0;
	v12 =	vadd.s32 s25, v3;
	v9 =	vadd.s32 s24, v3;
	[tilespmem:v20+s15+$0x0] =	vst.idx.msk $0xffff, v19;
	v10 =	vld [tilespmem:s21+$0x70]  }
.LBB2_20:
0x227: {  	s0 =	sadd.s32 $0x30F, s23  }
0x228: {  	[tilespmem:v13+s15+$0x0] =	vst.idx.msk $0xffff, v11;
	v11 =	vld [tilespmem:s21+$0xB0];
	v13 =	vadd.s32 s22, v3;
	s21 =	sadd.s32 $0x200, s21;
	s30 =	smov.u32 s23;
	s23 =	sadd.s32 $0x8, s23  }
0x229: {  	s24 =	sadd.s32 $0x309, s30;
	v14 =	vld [tilespmem:s21+$0xC0];
	v15 =	vadd.s32 s0, v0;
	p0 =	slt.u32 s23, $0x78;
	[tilespmem:v8+s15+$0x0] =	vst.idx.msk $0xffff, v4  }
0x22a: {  	s25 =	sadd.s32 $0x30A, s30;
	v4 =	vld [tilespmem:s21+$0xFFFFFF40];
	v8 =	vadd.s32 s24, v0;
	[tilespmem:v7+s15+$0x0] =	vst.idx.msk $0xffff, v5  }
0x22b: {  	s26 =	sadd.s32 $0x30B, s30;
	v7 =	vadd.s32 s25, v0;
	v5 =	vld [tilespmem:s21+$0xFFFFFF80];
	[tilespmem:v9+s15+$0x0] =	vst.idx.msk $0xffff, v6  }
0x22c: {  	s28 =	sadd.s32 $0x30C, s30;
	v9 =	vadd.s32 s26, v0;
	v6 =	vld [tilespmem:s21+$0xFFFFFFC0];
	[tilespmem:v12+s15+$0x0] =	vst.idx.msk $0xffff, v10  }
0x22d: {  	s29 =	sadd.s32 $0x30D, s30;
	v12 =	vadd.s32 s28, v0;
	v10 =	vld [tilespmem:s21+$0x0];
	[tilespmem:v13+s15+$0x0] =	vst.idx.msk $0xffff, v11  }
0x22e: {  	v13 =	vadd.s32 s29, v0;
	v11 =	vld [tilespmem:s21+$0x40];
	[tilespmem:v15+s15+$0x0] =	vst.idx.msk $0xffff, v14  }
0x22f: {  	s22 =	sadd.s32 $0x30E, s30;
	[tilespmem:v8+s15+$0x0] =	vst.idx.msk $0xffff, v4;
	v4 =	vld [tilespmem:s21+$0xD0];
	v8 =	vadd.s32 s0, v1  }
0x230: {  	s30 =	sadd.s32 $0x308, s30;
	[tilespmem:v7+s15+$0x0] =	vst.idx.msk $0xffff, v5;
	v5 =	vld [tilespmem:s21+$0x80];
	v7 =	vadd.s32 s22, v0  }
0x231: {  	v15 =	vadd.s32 s30, v0;
	v14 =	vld [tilespmem:s21+$0xFFFFFF00];
	[tilespmem:v9+s15+$0x0] =	vst.idx.msk $0xffff, v6  }
0x232: {  	v9 =	vadd.s32 s24, v1;
	v6 =	vld [tilespmem:s21+$0xFFFFFF50];
	[tilespmem:v12+s15+$0x0] =	vst.idx.msk $0xffff, v10  }
0x233: {  	v12 =	vadd.s32 s25, v1;
	v10 =	vld [tilespmem:s21+$0xFFFFFF90];
	[tilespmem:v13+s15+$0x0] =	vst.idx.msk $0xffff, v11  }
0x234: {  	v13 =	vadd.s32 s26, v1;
	v11 =	vld [tilespmem:s21+$0xFFFFFFD0];
	[tilespmem:v8+s15+$0x0] =	vst.idx.msk $0xffff, v4  }
0x235: {  	[tilespmem:v7+s15+$0x0] =	vst.idx.msk $0xffff, v5;
	v4 =	vld [tilespmem:s21+$0xE0];
	v5 =	vadd.s32 s0, v2  }
0x236: {  	v8 =	vadd.s32 s28, v1;
	[tilespmem:v15+s15+$0x0] =	vst.idx.msk $0xffff, v14;
	v7 =	vld [tilespmem:s21+$0x10]  }
0x237: {  	v15 =	vadd.s32 s30, v1;
	v14 =	vld [tilespmem:s21+$0xFFFFFF10];
	[tilespmem:v9+s15+$0x0] =	vst.idx.msk $0xffff, v6  }
0x238: {  	v9 =	vadd.s32 s29, v1;
	[tilespmem:v12+s15+$0x0] =	vst.idx.msk $0xffff, v10;
	v6 =	vld [tilespmem:s21+$0x50]  }
0x239: {  	[tilespmem:v13+s15+$0x0] =	vst.idx.msk $0xffff, v11;
	v10 =	vld [tilespmem:s21+$0x90];
	v11 =	vadd.s32 s22, v1  }
0x23a: {  	v13 =	vadd.s32 s24, v2;
	v12 =	vld [tilespmem:s21+$0xFFFFFF60];
	[tilespmem:v5+s15+$0x0] =	vst.idx.msk $0xffff, v4  }
0x23b: {  	v5 =	vadd.s32 s0, v3;
	[tilespmem:v8+s15+$0x0] =	vst.idx.msk $0xffff, v7;
	v4 =	vld [tilespmem:s21+$0xF0]  }
0x23c: {  	v8 =	vadd.s32 s25, v2;
	[tilespmem:v15+s15+$0x0] =	vst.idx.msk $0xffff, v14;
	v7 =	vld [tilespmem:s21+$0xFFFFFFA0]  }
0x23d: {  	v15 =	vadd.s32 s30, v2;
	v14 =	vld [tilespmem:s21+$0xFFFFFF20];
	[tilespmem:v9+s15+$0x0] =	vst.idx.msk $0xffff, v6  }
0x23e: {  	v9 =	vadd.s32 s26, v2;
	v6 =	vld [tilespmem:s21+$0xFFFFFFE0];
	[tilespmem:v11+s15+$0x0] =	vst.idx.msk $0xffff, v10  }
0x23f: {  	[tilespmem:v13+s15+$0x0] =	vst.idx.msk $0xffff, v12;
	v10 =	vld [tilespmem:s21+$0x20];
	v12 =	vadd.s32 s28, v2  }
0x240: {  	v17 =	vadd.s32 s29, v2;
	v16 =	vld [tilespmem:s21+$0x60];
	[tilespmem:v5+s15+$0x0] =	vst.idx.msk $0xffff, v4  }
0x241: {  	v19 =	vadd.s32 s22, v2;
	[tilespmem:v8+s15+$0x0] =	vst.idx.msk $0xffff, v7;
	v18 =	vld [tilespmem:s21+$0xA0]  }
0x242: {  	[tilespmem:v15+s15+$0x0] =	vst.idx.msk $0xffff, v14;
	v14 =	vld [tilespmem:s21+$0xFFFFFF70];
	v15 =	vadd.s32 s24, v3  }
.Ltmp8:
0x243: {  	v13 =	vadd.s32 s30, v3;
	v11 =	vld [tilespmem:s21+$0xFFFFFF30];
	[tilespmem:v9+s15+$0x0] =	vst.idx.msk $0xffff, v6;
	(pc) =	sbr.rel @p0 .LBB2_20-.Ltmp8, $4  }
0x244: {  	v8 =	vadd.s32 s25, v3;
	v4 =	vld [tilespmem:s21+$0xFFFFFFB0];
	[tilespmem:v12+s15+$0x0] =	vst.idx.msk $0xffff, v10  }
0x245: {  	v7 =	vadd.s32 s26, v3;
	v5 =	vld [tilespmem:s21+$0xFFFFFFF0];
	[tilespmem:v17+s15+$0x0] =	vst.idx.msk $0xffff, v16  }
0x246: {  	v9 =	vadd.s32 s28, v3;
	v6 =	vld [tilespmem:s21+$0x30];
	[tilespmem:v19+s15+$0x0] =	vst.idx.msk $0xffff, v18  }
0x247: {  	v12 =	vadd.s32 s29, v3;
	[tilespmem:v15+s15+$0x0] =	vst.idx.msk $0xffff, v14;
	v10 =	vld [tilespmem:s21+$0x70]  }
0x248: {  	_ =	sdelay $0x3  }
0x249: {  	[tilespmem:v13+s15+$0x0] =	vst.idx.msk $0xffff, v11;
	v11 =	vld [tilespmem:s21+$0xB0];
	v13 =	vadd.s32 s22, v3  }
0x24a: {  	[tilespmem:v8+s15+$0x0] =	vst.idx.msk $0xffff, v4  }
0x24b: {  	[tilespmem:v7+s15+$0x0] =	vst.idx.msk $0xffff, v5  }
0x24c: {  	[tilespmem:v9+s15+$0x0] =	vst.idx.msk $0xffff, v6  }
0x24d: {  	[tilespmem:v12+s15+$0x0] =	vst.idx.msk $0xffff, v10  }
0x24e: {  	[tilespmem:v13+s15+$0x0] =	vst.idx.msk $0xffff, v11  }
0x24f: {  	_ =	swait.ge [sflag:s13], $0x2000  }
0x250: {  	s0 =	sadd.s32 $0x100, s20;
	[sflag:s13] =	ssyncset.done $0x0  }
0x251: {  	s20 =	simm.s32 $0xC500;
	s26 =	simm.s32 $0x387;
	[sflag:s13] =	ssyncadd.s32 $0xFFFFE000  }
0x252: {  	[tilespmem:s12], [sflag:$0x1] =	stream.indirect.gather [hbm4b:s3+s8], $0x40, s0, s8, $0xb8;
	[tilespmem:$0x1E600] =	vst v63  }
0x253: {  	s25 =	simm.s32 $0x381;
	v5 =	vadd.s32 s26, v0;
	v4 =	vld [tilespmem:s20+$0xC0]  }
0x254: {  	s30 =	simm.s32 $0x382;
	v7 =	vadd.s32 s25, v0;
	v6 =	vld [tilespmem:s20+$0xFFFFFF40]  }
0x255: {  	s31 =	simm.s32 $0x383;
	v9 =	vadd.s32 s30, v0;
	v8 =	vld [tilespmem:s20+$0xFFFFFF80]  }
0x256: {  	s23 =	simm.s32 $0x384;
	v11 =	vadd.s32 s31, v0;
	v10 =	vld [tilespmem:s20+$0xFFFFFFC0]  }
0x257: {  	s24 =	simm.s32 $0x385;
	v13 =	vadd.s32 s23, v0;
	v12 =	vld [tilespmem:s20+$0x0]  }
0x258: {  	s21 =	simm.s32 $0x386;
	v15 =	vadd.s32 s24, v0;
	v14 =	vld [tilespmem:s20+$0x40];
	[tilespmem:v5+s15+$0x0] =	vst.idx.msk $0xffff, v4  }
0x259: {  	s28 =	simm.s32 $0x380;
	[tilespmem:v7+s15+$0x0] =	vst.idx.msk $0xffff, v6;
	v6 =	vld [tilespmem:s20+$0x80];
	v7 =	vadd.s32 s21, v0  }
0x25a: {  	[tilespmem:v9+s15+$0x0] =	vst.idx.msk $0xffff, v8;
	v8 =	vld [tilespmem:s20+$0xFFFFFF00];
	v9 =	vadd.s32 s28, v0  }
0x25b: {  	v5 =	vadd.s32 s26, v1;
	[tilespmem:v11+s15+$0x0] =	vst.idx.msk $0xffff, v10;
	v4 =	vld [tilespmem:s20+$0xD0]  }
0x25c: {  	v11 =	vadd.s32 s25, v1;
	[tilespmem:v13+s15+$0x0] =	vst.idx.msk $0xffff, v12;
	v10 =	vld [tilespmem:s20+$0xFFFFFF50]  }
0x25d: {  	v13 =	vadd.s32 s30, v1;
	[tilespmem:v15+s15+$0x0] =	vst.idx.msk $0xffff, v14;
	v12 =	vld [tilespmem:s20+$0xFFFFFF90]  }
0x25e: {  	v15 =	vadd.s32 s31, v1;
	v14 =	vld [tilespmem:s20+$0xFFFFFFD0];
	[tilespmem:v7+s15+$0x0] =	vst.idx.msk $0xffff, v6  }
0x25f: {  	[tilespmem:v9+s15+$0x0] =	vst.idx.msk $0xffff, v8;
	v6 =	vld [tilespmem:s20+$0x10];
	v7 =	vadd.s32 s23, v1  }
0x260: {  	v9 =	vadd.s32 s28, v1;
	[tilespmem:v5+s15+$0x0] =	vst.idx.msk $0xffff, v4;
	v8 =	vld [tilespmem:s20+$0xFFFFFF10]  }
0x261: {  	[tilespmem:v11+s15+$0x0] =	vst.idx.msk $0xffff, v10;
	v10 =	vld [tilespmem:s20+$0x50];
	v11 =	vadd.s32 s24, v1  }
0x262: {  	[tilespmem:v13+s15+$0x0] =	vst.idx.msk $0xffff, v12;
	v12 =	vld [tilespmem:s20+$0x90];
	v13 =	vadd.s32 s21, v1  }
0x263: {  	v5 =	vadd.s32 s26, v2;
	[tilespmem:v15+s15+$0x0] =	vst.idx.msk $0xffff, v14;
	v4 =	vld [tilespmem:s20+$0xE0]  }
0x264: {  	v15 =	vadd.s32 s25, v2;
	v14 =	vld [tilespmem:s20+$0xFFFFFF60];
	[tilespmem:v7+s15+$0x0] =	vst.idx.msk $0xffff, v6  }
0x265: {  	v6 =	vld [tilespmem:s20+$0xFFFFFFA0];
	v7 =	vadd.s32 s30, v2;
	[tilespmem:v9+s15+$0x0] =	vst.idx.msk $0xffff, v8  }
0x266: {  	v16 =	vadd.s32 s31, v2;
	[tilespmem:v11+s15+$0x0] =	vst.idx.msk $0xffff, v10;
	v10 =	vld [tilespmem:s20+$0xFFFFFFE0]  }
0x267: {  	[tilespmem:v13+s15+$0x0] =	vst.idx.msk $0xffff, v12;
	v12 =	vld [tilespmem:s20+$0x20];
	v13 =	vadd.s32 s23, v2  }
0x268: {  	v9 =	vadd.s32 s28, v2;
	[tilespmem:v5+s15+$0x0] =	vst.idx.msk $0xffff, v4;
	v8 =	vld [tilespmem:s20+$0xFFFFFF20]  }
0x269: {  	[tilespmem:v15+s15+$0x0] =	vst.idx.msk $0xffff, v14;
	v14 =	vld [tilespmem:s20+$0x60];
	v15 =	vadd.s32 s24, v2  }
0x26a: {  	v5 =	vadd.s32 s26, v3;
	v4 =	vld [tilespmem:s20+$0xF0];
	[tilespmem:v7+s15+$0x0] =	vst.idx.msk $0xffff, v6  }
0x26b: {  	v18 =	vadd.s32 s21, v2;
	v17 =	vld [tilespmem:s20+$0xA0];
	[tilespmem:v16+s15+$0x0] =	vst.idx.msk $0xffff, v10  }
0x26c: {  	v20 =	vadd.s32 s25, v3;
	v19 =	vld [tilespmem:s20+$0xFFFFFF70];
	[tilespmem:v13+s15+$0x0] =	vst.idx.msk $0xffff, v12  }
0x26d: {  	[tilespmem:v9+s15+$0x0] =	vst.idx.msk $0xffff, v8;
	v6 =	vld [tilespmem:s20+$0x30]  }
0x26e: {  	v13 =	vadd.s32 s28, v3;
	[tilespmem:v15+s15+$0x0] =	vst.idx.msk $0xffff, v14;
	v11 =	vld [tilespmem:s20+$0xFFFFFF30]  }
0x26f: {  	v8 =	vadd.s32 s30, v3;
	[tilespmem:v5+s15+$0x0] =	vst.idx.msk $0xffff, v4;
	v4 =	vld [tilespmem:s20+$0xFFFFFFB0]  }
0x270: {  	v7 =	vadd.s32 s31, v3;
	[tilespmem:v18+s15+$0x0] =	vst.idx.msk $0xffff, v17;
	v5 =	vld [tilespmem:s20+$0xFFFFFFF0]  }
0x271: {  	s22 =	simm.s32 $0x0;
	v12 =	vadd.s32 s24, v3;
	v9 =	vadd.s32 s23, v3;
	[tilespmem:v20+s15+$0x0] =	vst.idx.msk $0xffff, v19;
	v10 =	vld [tilespmem:s20+$0x70]  }
.LBB2_22:
0x272: {  	s0 =	sadd.s32 $0x38F, s22  }
0x273: {  	[tilespmem:v13+s15+$0x0] =	vst.idx.msk $0xffff, v11;
	v11 =	vld [tilespmem:s20+$0xB0];
	v13 =	vadd.s32 s21, v3;
	s20 =	sadd.s32 $0x200, s20;
	s29 =	smov.u32 s22;
	s22 =	sadd.s32 $0x8, s22  }
0x274: {  	s23 =	sadd.s32 $0x389, s29;
	v14 =	vld [tilespmem:s20+$0xC0];
	v15 =	vadd.s32 s0, v0;
	p0 =	slt.u32 s22, $0x78;
	[tilespmem:v8+s15+$0x0] =	vst.idx.msk $0xffff, v4  }
0x275: {  	s24 =	sadd.s32 $0x38A, s29;
	v4 =	vld [tilespmem:s20+$0xFFFFFF40];
	v8 =	vadd.s32 s23, v0;
	[tilespmem:v7+s15+$0x0] =	vst.idx.msk $0xffff, v5  }
0x276: {  	s25 =	sadd.s32 $0x38B, s29;
	v7 =	vadd.s32 s24, v0;
	v5 =	vld [tilespmem:s20+$0xFFFFFF80];
	[tilespmem:v9+s15+$0x0] =	vst.idx.msk $0xffff, v6  }
0x277: {  	s26 =	sadd.s32 $0x38C, s29;
	v9 =	vadd.s32 s25, v0;
	v6 =	vld [tilespmem:s20+$0xFFFFFFC0];
	[tilespmem:v12+s15+$0x0] =	vst.idx.msk $0xffff, v10  }
0x278: {  	s28 =	sadd.s32 $0x38D, s29;
	v12 =	vadd.s32 s26, v0;
	v10 =	vld [tilespmem:s20+$0x0];
	[tilespmem:v13+s15+$0x0] =	vst.idx.msk $0xffff, v11  }
0x279: {  	v13 =	vadd.s32 s28, v0;
	v11 =	vld [tilespmem:s20+$0x40];
	[tilespmem:v15+s15+$0x0] =	vst.idx.msk $0xffff, v14  }
0x27a: {  	s21 =	sadd.s32 $0x38E, s29;
	[tilespmem:v8+s15+$0x0] =	vst.idx.msk $0xffff, v4;
	v4 =	vld [tilespmem:s20+$0xD0];
	v8 =	vadd.s32 s0, v1  }
0x27b: {  	s29 =	sadd.s32 $0x388, s29;
	[tilespmem:v7+s15+$0x0] =	vst.idx.msk $0xffff, v5;
	v5 =	vld [tilespmem:s20+$0x80];
	v7 =	vadd.s32 s21, v0  }
0x27c: {  	v15 =	vadd.s32 s29, v0;
	v14 =	vld [tilespmem:s20+$0xFFFFFF00];
	[tilespmem:v9+s15+$0x0] =	vst.idx.msk $0xffff, v6  }
0x27d: {  	v9 =	vadd.s32 s23, v1;
	v6 =	vld [tilespmem:s20+$0xFFFFFF50];
	[tilespmem:v12+s15+$0x0] =	vst.idx.msk $0xffff, v10  }
0x27e: {  	v12 =	vadd.s32 s24, v1;
	v10 =	vld [tilespmem:s20+$0xFFFFFF90];
	[tilespmem:v13+s15+$0x0] =	vst.idx.msk $0xffff, v11  }
0x27f: {  	v13 =	vadd.s32 s25, v1;
	v11 =	vld [tilespmem:s20+$0xFFFFFFD0];
	[tilespmem:v8+s15+$0x0] =	vst.idx.msk $0xffff, v4  }
0x280: {  	[tilespmem:v7+s15+$0x0] =	vst.idx.msk $0xffff, v5;
	v4 =	vld [tilespmem:s20+$0xE0];
	v5 =	vadd.s32 s0, v2  }
0x281: {  	v8 =	vadd.s32 s26, v1;
	[tilespmem:v15+s15+$0x0] =	vst.idx.msk $0xffff, v14;
	v7 =	vld [tilespmem:s20+$0x10]  }
0x282: {  	v15 =	vadd.s32 s29, v1;
	v14 =	vld [tilespmem:s20+$0xFFFFFF10];
	[tilespmem:v9+s15+$0x0] =	vst.idx.msk $0xffff, v6  }
0x283: {  	v9 =	vadd.s32 s28, v1;
	[tilespmem:v12+s15+$0x0] =	vst.idx.msk $0xffff, v10;
	v6 =	vld [tilespmem:s20+$0x50]  }
0x284: {  	[tilespmem:v13+s15+$0x0] =	vst.idx.msk $0xffff, v11;
	v10 =	vld [tilespmem:s20+$0x90];
	v11 =	vadd.s32 s21, v1  }
0x285: {  	v13 =	vadd.s32 s23, v2;
	v12 =	vld [tilespmem:s20+$0xFFFFFF60];
	[tilespmem:v5+s15+$0x0] =	vst.idx.msk $0xffff, v4  }
0x286: {  	v5 =	vadd.s32 s0, v3;
	[tilespmem:v8+s15+$0x0] =	vst.idx.msk $0xffff, v7;
	v4 =	vld [tilespmem:s20+$0xF0]  }
0x287: {  	v8 =	vadd.s32 s24, v2;
	[tilespmem:v15+s15+$0x0] =	vst.idx.msk $0xffff, v14;
	v7 =	vld [tilespmem:s20+$0xFFFFFFA0]  }
0x288: {  	v15 =	vadd.s32 s29, v2;
	v14 =	vld [tilespmem:s20+$0xFFFFFF20];
	[tilespmem:v9+s15+$0x0] =	vst.idx.msk $0xffff, v6  }
0x289: {  	v9 =	vadd.s32 s25, v2;
	v6 =	vld [tilespmem:s20+$0xFFFFFFE0];
	[tilespmem:v11+s15+$0x0] =	vst.idx.msk $0xffff, v10  }
0x28a: {  	[tilespmem:v13+s15+$0x0] =	vst.idx.msk $0xffff, v12;
	v10 =	vld [tilespmem:s20+$0x20];
	v12 =	vadd.s32 s26, v2  }
0x28b: {  	v17 =	vadd.s32 s28, v2;
	v16 =	vld [tilespmem:s20+$0x60];
	[tilespmem:v5+s15+$0x0] =	vst.idx.msk $0xffff, v4  }
0x28c: {  	v19 =	vadd.s32 s21, v2;
	[tilespmem:v8+s15+$0x0] =	vst.idx.msk $0xffff, v7;
	v18 =	vld [tilespmem:s20+$0xA0]  }
0x28d: {  	[tilespmem:v15+s15+$0x0] =	vst.idx.msk $0xffff, v14;
	v14 =	vld [tilespmem:s20+$0xFFFFFF70];
	v15 =	vadd.s32 s23, v3  }
.Ltmp9:
0x28e: {  	v13 =	vadd.s32 s29, v3;
	v11 =	vld [tilespmem:s20+$0xFFFFFF30];
	[tilespmem:v9+s15+$0x0] =	vst.idx.msk $0xffff, v6;
	(pc) =	sbr.rel @p0 .LBB2_22-.Ltmp9, $4  }
0x28f: {  	v8 =	vadd.s32 s24, v3;
	v4 =	vld [tilespmem:s20+$0xFFFFFFB0];
	[tilespmem:v12+s15+$0x0] =	vst.idx.msk $0xffff, v10  }
0x290: {  	v7 =	vadd.s32 s25, v3;
	v5 =	vld [tilespmem:s20+$0xFFFFFFF0];
	[tilespmem:v17+s15+$0x0] =	vst.idx.msk $0xffff, v16  }
0x291: {  	v9 =	vadd.s32 s26, v3;
	v6 =	vld [tilespmem:s20+$0x30];
	[tilespmem:v19+s15+$0x0] =	vst.idx.msk $0xffff, v18  }
0x292: {  	v12 =	vadd.s32 s28, v3;
	[tilespmem:v15+s15+$0x0] =	vst.idx.msk $0xffff, v14;
	v10 =	vld [tilespmem:s20+$0x70]  }
0x293: {  	_ =	sdelay $0x3  }
0x294: {  	[tilespmem:v13+s15+$0x0] =	vst.idx.msk $0xffff, v11;
	v62 =	vld [tilespmem:s20+$0xB0];
	v63 =	vadd.s32 s21, v3  }
0x295: {  	[tilespmem:v8+s15+$0x0] =	vst.idx.msk $0xffff, v4  }
0x296: {  	[tilespmem:v7+s15+$0x0] =	vst.idx.msk $0xffff, v5  }
0x297: {  	[tilespmem:v9+s15+$0x0] =	vst.idx.msk $0xffff, v6  }
0x298: {  	[tilespmem:v12+s15+$0x0] =	vst.idx.msk $0xffff, v10  }
0x299: {  	s0 =	simm.s32 $0xE400;
	[tilespmem:v63+s15+$0x0] =	vst.idx.msk $0xffff, v62  }
0x29a: {  	[hbm4b:s18+s2] =	stream.linear.scatter [tilespmem:s0], [sflag:$0x2], $0x400, $0x38;
	[tilespmem:$0x1E600] =	vst v63  }
0x29b: {  	s20 =	smov.u32 s18;
	s0 =	simm.s32 $0x1020  }
.LBB2_24:
0x29c: {  	p0 =	seq.s32 s0, $0x3F7E0  }
.Ltmp10:
0x29d: {  	_ = 	snop;
	(pc) =	sbr.rel @!p0 .LBB2_24-.Ltmp10, $4  }
0x29e: {  	_ = 	snop  }
0x29f: {  	s21 =	sshra.s32 s0, $0x2;
	s0 =	sadd.s32 $0x1020, s0  }
0x2a0: {  	s20 =	sadd.s32 $0x19000, s20;
	s21 =	sadd.s32 $0xE400, s21  }
0x2a1: {  	[hbm4b:s20+s2] =	stream.linear.scatter [tilespmem:s21], [sflag:$0x2], $0x400, $0x38;
	[tilespmem:$0x1E600] =	vst v63  }
0x2a2: {  	p0 =	seq.s32 s19, $0x19  }
.Ltmp11:
0x2a3: {  	_ = 	snop;
	(pc) =	sbr.rel @!p0 .LBB2_3-.Ltmp11, $2  }
0x2a4: {  	_ =	sdelay $0x2  }
0x2a5: {  	s18 =	sadd.s32 $0x80, s18  }
0x2a6: {  	_ =	swait.ge [sflag:s13], $0x2000  }
0x2a7: {  	[sflag:s13] =	ssyncset.done $0x0  }
0x2a8: {  	[sflag:s13] =	ssyncadd.s32 $0xFFFFE000  }
0x2a9: {  	_ =	swait.ge [sflag:s13], $0x2000  }
0x2aa: {  	[sflag:s13] =	ssyncset.done $0x0  }
0x2ab: {  	[sflag:s13] =	ssyncadd.s32 $0xFFFFE000  }
0x2ac: {  	_ =	swait.ge [sflag:s13], $0x2000  }
0x2ad: {  	[sflag:s13] =	ssyncset.done $0x0  }
0x2ae: {  	[sflag:s13] =	ssyncadd.s32 $0xFFFFE000  }
0x2af: {  	_ =	swait.ge [sflag:s16], $0x400  }
0x2b0: {  	s0 =	simm.s32 $0x3F;
	[sflag:s16] =	ssyncset.done $0x0  }
.LBB2_26:
0x2b1: {  	p0 =	sne.s32 s0, $0x1;
	s0 =	sadd.s32 $0xFFFFFFFF, s0;
	[sflag:s16] =	ssyncadd.s32 $0xFFFFFC00  }
.Ltmp12:
0x2b2: {  	(pc) =	sbr.rel @p0 .LBB2_26-.Ltmp12, $3  }
0x2b3: {  	_ =	sdelay $0x1  }
0x2b4: {  	_ =	swait.ge [sflag:s16], $0x400  }
0x2b5: {  	[sflag:s16] =	ssyncset.done $0x0  }
0x2b6: {  	s17 =	sadd.s32 $0x1, s17  }
0x2b7: {  	p0 =	sne.s32 s17, s5  }
.Ltmp13:
0x2b8: {  	_ = 	snop;
	(pc) =	sbr.rel @p0 .LBB2_1-.Ltmp13, $2  }
0x2b9: {  	_ =	sdelay $0x2  }
0x2ba: {  	[sflag:s16] =	ssyncadd.s32 $0xFFFFFC00  }
0x2bb: {  	_ =	sfence.sel $0x180000  }
0x2bc: {  	[bflag:$0x0] =	sbarrier.arrive $0xFFFF  }
0x2bd: {  	_ =	strace $0x90000047  }
0x2be: {  	[bflag:$0x2] =	sbarrier.arrive $0xFFFF  }
0x2bf: {  	p0 =	sne.s32 s1, $0x0;
	s0 =	rddreg [dreg:$0x3]  }
0x2c0: {  	s0 =	sadd.s32 @!p0 $0x100000, s0  }
0x2c1: {  	[sflag:s0] =	ssyncadd.tile.s32 @!p0 $0x1;
	_ =	shalt  }
.Lfunc_end2:
_tile_overlayer_lowered:
.L_overlay_start_2:
0x2c2: {  	(tag) =	ssettag $0x2  }
0x2c3: {  	s0 =	rddreg [dreg:$0x0];
	s2 =	stileid.u32  }
0x2c4: {  	s1 =	rddreg [dreg:$0x1];
	p0 =	sne.s32 s2, $0x0  }
0x2c5: {  	s3 =	rddreg [dreg:$0x2];
	[bflag:$0x3] =	sbarrier.arrive $0xFFFF;
	s2 =	simm.s32 @!p0 $0x1C03  }
0x2c6: {  	[timem:s3], [sflag:s2] =	dma.local @!p0 [hbm:s0], s1  }
0x2c7: {  	s0 =	simm.s32 @!p0 $0x3  }
0x2c8: {  	_ =	swait.ge @!p0 [sflag:s0], s1  }
0x2c9: {  	s1 =	ssub.s32 @!p0 $0x0, s1;
	[sflag:s0] =	ssyncset.done @!p0 $0x0  }
0x2ca: {  	[sflag:s0] =	ssyncadd.s32 @!p0 s1  }
0x2cb: {  	[bflag:$0x3] =	sbarrier.arrive $0xFFFF  }
0x2cc: {  	_ =	shalt  }

</sc_bundles>
